<compile_context>
chip_gen: v7x
topology: tpu7x:2x2x1
jax: 0.10.2.dev20260603
libtpu: 0.0.44.dev20260713+nightly
codegen_flags: <defaults>
</compile_context>

<pallas_src>
import functools

import jax
import jax.numpy as jnp
from jax import lax
from jax.experimental import pallas as pl
from jax.experimental.pallas import tpu as pltpu
from jax.experimental.pallas import tpu_sc as plsc

N = 10000
NP = 10240
BLK = 2048
GRID = NP // BLK
F_IN = 128
H = 256
SW = 128
NSLAB = 2
KH = 512
G = 64
C = 10
E = 320000
NSUB = 16
CHUNK = 128
CPT = 158
NHALF = CPT // 2
EPT = CPT * CHUNK
EPAD = EPT * NSUB
DUMMY = N
RPT = NP // NSUB



def _split_out(c, out_ref):
    for k in range(NSLAB):
        out_ref[k] = c[:, k * SW:(k + 1) * SW].astype(jnp.bfloat16)


def _first_body(x_ref, w0_ref, b0_ref, w1_ref, b1_ref, w2_ref, out_ref):
    h = jnp.dot(x_ref[...], w0_ref[...], preferred_element_type=jnp.float32)
    h = h + b0_ref[...]
    m = jnp.dot(h, w1_ref[...], preferred_element_type=jnp.float32) + b1_ref[...]
    m = jnp.maximum(m, 0.0)
    c = jnp.dot(m, w2_ref[...], preferred_element_type=jnp.float32)
    _split_out(c, out_ref)


def _mid_body(s_ref, b2p_ref, w1_ref, b1_ref, w2_ref, out_ref):
    hcat = jnp.concatenate([s_ref[k] for k in range(NSLAB)],
                           axis=-1).astype(jnp.float32)
    h = jnp.maximum(hcat + b2p_ref[...], 0.0)
    m = jnp.dot(h, w1_ref[...], preferred_element_type=jnp.float32) + b1_ref[...]
    m = jnp.maximum(m, 0.0)
    c = jnp.dot(m, w2_ref[...], preferred_element_type=jnp.float32)
    _split_out(c, out_ref)


def _final_body(s_ref, b2p_ref, batch_ref, w1_ref, b1_ref, w2_ref, b2f_ref,
                out_ref, pooled_acc, cnt_acc):
    i = pl.program_id(0)

    @pl.when(i == 0)
    def _():
        pooled_acc[...] = jnp.zeros_like(pooled_acc)
        cnt_acc[...] = jnp.zeros_like(cnt_acc)

    hcat = jnp.concatenate([s_ref[k] for k in range(NSLAB)],
                           axis=-1).astype(jnp.float32)
    h = jnp.maximum(hcat + b2p_ref[...], 0.0)
    b = batch_ref[0]
    bb = jnp.broadcast_to(b, (G, BLK))
    gg = lax.broadcasted_iota(jnp.int32, (G, BLK), 0)
    oh = (gg == bb).astype(jnp.float32)
    pooled_acc[...] += jnp.dot(oh, h, preferred_element_type=jnp.float32)
    cnt_acc[...] += jnp.dot(oh, jnp.ones((BLK, 128), jnp.float32),
                            preferred_element_type=jnp.float32)

    @pl.when(i == GRID - 1)
    def _():
        cnt = jnp.maximum(cnt_acc[:, :1], 1.0)
        pooled = pooled_acc[...] / cnt
        z = jnp.dot(pooled, w1_ref[...], preferred_element_type=jnp.float32)
        z = jnp.maximum(z + b1_ref[...], 0.0)
        logits = jnp.dot(z, w2_ref[...], preferred_element_type=jnp.float32)
        logits = logits + b2f_ref[...]
        mx = jnp.max(logits, axis=-1, keepdims=True)
        lse = jnp.log(jnp.sum(jnp.exp(logits - mx), axis=-1, keepdims=True)) + mx
        out_ref[...] = logits - lse


def _full(shape):
    return pl.BlockSpec(shape, lambda i: tuple(0 for _ in shape))


_first_call = pl.pallas_call(
    _first_body,
    grid=(GRID,),
    in_specs=[
        pl.BlockSpec((BLK, F_IN), lambda i: (i, 0)),
        _full((F_IN, H)),
        _full((1, H)),
        _full((H, KH)),
        _full((1, KH)),
        _full((KH, H)),
    ],
    out_specs=pl.BlockSpec((NSLAB, BLK, SW), lambda i: (0, i, 0)),
    out_shape=jax.ShapeDtypeStruct((NSLAB, NP, SW), jnp.bfloat16),
)

_mid_call = pl.pallas_call(
    _mid_body,
    grid=(GRID,),
    in_specs=[
        pl.BlockSpec((NSLAB, BLK, SW), lambda i: (0, i, 0)),
        _full((1, H)),
        _full((H, KH)),
        _full((1, KH)),
        _full((KH, H)),
    ],
    out_specs=pl.BlockSpec((NSLAB, BLK, SW), lambda i: (0, i, 0)),
    out_shape=jax.ShapeDtypeStruct((NSLAB, NP, SW), jnp.bfloat16),
)

_final_call = pl.pallas_call(
    _final_body,
    grid=(GRID,),
    in_specs=[
        pl.BlockSpec((NSLAB, BLK, SW), lambda i: (0, i, 0)),
        _full((1, H)),
        pl.BlockSpec((1, 1, BLK), lambda i: (i, 0, 0)),
        _full((H, H)),
        _full((1, H)),
        _full((H, C)),
        _full((1, C)),
    ],
    out_specs=_full((G, C)),
    out_shape=jax.ShapeDtypeStruct((G, C), jnp.float32),
    scratch_shapes=[
        pltpu.VMEM((G, H), jnp.float32),
        pltpu.VMEM((G, 128), jnp.float32),
    ],
)



def _agg_body(c_hbm, src_hbm, dst_hbm, out_hbm, src_v, dst_v, rows0, rows1,
              acc_sh, sem_a, sem_b):
    cid = lax.axis_index("c")
    sid = lax.axis_index("s")

    pltpu.sync_copy(src_hbm.at[sid], src_v)
    pltpu.sync_copy(dst_hbm.at[sid], dst_v)
    pltpu.sync_copy(c_hbm.at[cid, pl.ds(sid * RPT, RPT)],
                    acc_sh.at[pl.ds(sid * RPT, RPT)])
    plsc.subcore_barrier()

    def gather(j, buf, sem):
        return pltpu.make_async_copy(c_hbm.at[cid].at[src_v.at[j]], buf, sem)

    gather(0, rows0, sem_a).start()

    def body(k, carry):
        j0 = 2 * k
        j1 = j0 + 1
        gather(j1, rows1, sem_b).start()
        gather(j0, rows0, sem_a).wait()
        pltpu.sync_copy(rows0, acc_sh.at[dst_v.at[j0]], add=True)
        j2 = jnp.where(k < NHALF - 1, j0 + 2, 0)
        gather(j2, rows0, sem_a).start()
        gather(j1, rows1, sem_b).wait()
        pltpu.sync_copy(rows1, acc_sh.at[dst_v.at[j1]], add=True)
        return carry

    lax.fori_loop(0, NHALF, body, 0, unroll=False)
    gather(0, rows0, sem_a).wait()
    plsc.subcore_barrier()
    pltpu.sync_copy(acc_sh.at[pl.ds(sid * RPT, RPT)],
                    out_hbm.at[cid, pl.ds(sid * RPT, RPT)])


@functools.cache
def _get_agg_call():
    return functools.partial(
        pl.kernel,
        out_type=jax.ShapeDtypeStruct((NSLAB, NP, SW), jnp.bfloat16),
        mesh=plsc.VectorSubcoreMesh(core_axis_name="c", subcore_axis_name="s"),
        compiler_params=pltpu.CompilerParams(use_tc_tiling_on_sc=False),
        scratch_types=[
            pltpu.VMEM((CPT, CHUNK), jnp.int32),
            pltpu.VMEM((CPT, CHUNK), jnp.int32),
            pltpu.VMEM((CHUNK, SW), jnp.bfloat16),
            pltpu.VMEM((CHUNK, SW), jnp.bfloat16),
            pltpu.VMEM_SHARED((NP, SW), jnp.bfloat16),
            pltpu.SemaphoreType.DMA,
            pltpu.SemaphoreType.DMA,
        ],
    )(_agg_body)



def kernel(x, edge_index, batch, lin0_W, lin0_b, conv_W1, conv_b1, conv_W2,
           conv_b2, lin1_W, lin1_b, lin2_W, lin2_b):
    xp = jnp.concatenate([x, jnp.zeros((NP - N, F_IN), jnp.float32)], axis=0)
    src = jnp.concatenate(
        [edge_index[0], jnp.zeros((EPAD - E,), jnp.int32)]).reshape(NSUB, CPT, CHUNK)
    dst = jnp.concatenate(
        [edge_index[1], jnp.full((EPAD - E,), DUMMY, jnp.int32)]).reshape(NSUB, CPT, CHUNK)
    batchp = jnp.concatenate(
        [batch, jnp.full((NP - N,), G, jnp.int32)]).reshape(GRID, 1, BLK)

    agg = _get_agg_call()
    b0 = lin0_b.reshape(1, H)
    c = _first_call(xp, lin0_W, b0, conv_W1[0], conv_b1[0].reshape(1, KH),
                    conv_W2[0])
    s = agg(c, src, dst)
    c = _mid_call(s, conv_b2[0].reshape(1, H), conv_W1[1],
                  conv_b1[1].reshape(1, KH), conv_W2[1])
    s = agg(c, src, dst)
    c = _mid_call(s, conv_b2[1].reshape(1, H), conv_W1[2],
                  conv_b1[2].reshape(1, KH), conv_W2[2])
    s = agg(c, src, dst)
    out = _final_call(s, conv_b2[2].reshape(1, H), batchp, lin1_W,
                      lin1_b.reshape(1, H), lin2_W, lin2_b.reshape(1, C))
    return out

# --- scband reference (transcript-rebuilt; emitter-appended) ---
"""Pipeline reference for scband-net-326417514750 (READ-ONLY COPY).

The authoritative reference and input builder live on the scoring server;
editing this copy changes nothing except your own understanding.
"""

import jax, jax.numpy as jnp
import numpy as np

N = 10000
E = 320000
F_IN = 128
H = 256
K = 2
L = 3
C = 10
G = 64

def setup_inputs(seed: int = 0):
    key = jax.random.key(seed)
    ks = jax.random.split(key, 16)
    x = jax.random.normal(ks[0], (N, F_IN), dtype=jnp.float32)
    edge_index = jax.random.randint(ks[1], (2, E), 0, N, dtype=jnp.int32)
    batch = jnp.sort(jax.random.randint(ks[2], (N,), 0, G, dtype=jnp.int32))
    s = 0.05
    lin0_W = jax.random.normal(ks[3], (F_IN, H), dtype=jnp.float32) * s
    lin0_b = jnp.zeros((H,), dtype=jnp.float32)
    conv_W1 = jax.random.normal(ks[4], (L, H, K * H), dtype=jnp.float32) * s
    conv_b1 = jnp.zeros((L, K * H), dtype=jnp.float32)
    conv_W2 = jax.random.normal(ks[5], (L, K * H, H), dtype=jnp.float32) * s
    conv_b2 = jnp.zeros((L, H), dtype=jnp.float32)
    lin1_W = jax.random.normal(ks[6], (H, H), dtype=jnp.float32) * s
    lin1_b = jnp.zeros((H,), dtype=jnp.float32)
    lin2_W = jax.random.normal(ks[7], (H, C), dtype=jnp.float32) * s
    lin2_b = jnp.zeros((C,), dtype=jnp.float32)
    return {"x": x, "edge_index": edge_index, "batch": batch,
            "lin0_W": lin0_W, "lin0_b": lin0_b,
            "conv_W1": conv_W1, "conv_b1": conv_b1,
            "conv_W2": conv_W2, "conv_b2": conv_b2,
            "lin1_W": lin1_W, "lin1_b": lin1_b,
            "lin2_W": lin2_W, "lin2_b": lin2_b}

def reference(x, edge_index, batch, lin0_W, lin0_b, conv_W1, conv_b1, conv_W2, conv_b2, lin1_W, lin1_b, lin2_W, lin2_b):
    src = edge_index[0]
    dst = edge_index[1]
    # lin0
    h = x @ lin0_W + lin0_b
    # L ExpC (EB2) layers: expand to K*H, relu, sum-aggregate neighbors (+ self), compress to H, relu
    for l in range(L):
        m = jax.nn.relu(h @ conv_W1[l] + conv_b1[l])
        agg = m + jnp.zeros_like(m).at[dst].add(m[src])
        h = jax.nn.relu(agg @ conv_W2[l] + conv_b2[l])
    # JK = 'last' -> take final layer output
    # global mean pool over per-graph segments
    counts = jnp.zeros((G,), dtype=jnp.float32).at[batch].add(1.0)
    summed = jnp.zeros((G, H), dtype=jnp.float32).at[batch].add(h)
    pooled = summed / jnp.clip(counts, 1.0, None)[:, None]
    z = jax.nn.relu(pooled @ lin1_W + lin1_b)
    # dropout is a no-op in eval mode
    logits = z @ lin2_W + lin2_b
    return jax.nn.log_softmax(logits, axis=-1)

if __name__ == "__main__":
    import jax
    _d = setup_inputs()
    print(jax.jit(kernel)(*tuple(_d.values())))

</pallas_src>

<mosaic_0001>
#map = affine_map<(d0, d1) -> (0, 0, 0)>
module attributes {stable_mosaic.version = 14 : i64} {
  func.func @_agg_body(%arg0: i32, %arg1: i32, %arg2: memref<2x10240x128xbf16, #tpu.memory_space<hbm>>, %arg3: memref<16x158x128xi32, #tpu.memory_space<hbm>>, %arg4: memref<16x158x128xi32, #tpu.memory_space<hbm>>, %arg5: memref<2x10240x128xbf16, #tpu.memory_space<hbm>>, %arg6: memref<158x128xi32, #tpu.memory_space<vmem>>, %arg7: memref<158x128xi32, #tpu.memory_space<vmem>>, %arg8: memref<128x128xbf16, #tpu.memory_space<vmem>>, %arg9: memref<128x128xbf16, #tpu.memory_space<vmem>>, %arg10: memref<10240x128xbf16, #tpu.memory_space<vmem_shared>>, %arg11: memref<!tpu.dma_semaphore, #tpu.memory_space<semaphore_mem>>, %arg12: memref<!tpu.dma_semaphore, #tpu.memory_space<semaphore_mem>>) attributes {dimension_semantics = [#tpu.dimension_semantics<core_parallel>, #tpu.dimension_semantics<subcore_parallel>], iteration_bounds = array<i64: 2, 16>, scalar_prefetch = 0 : i64, scratch_operands = 7 : i64, tpu.core_type = #tpu.core_type<sc_vector_subcore>, window_params = [{transform_indices = #map}, {transform_indices = #map}, {transform_indices = #map}, {transform_indices = #map}]} {
    "tpu.region"() ({
      %run_scoped3A = tpu.sem_alloc : memref<!tpu.dma_semaphore, #tpu.memory_space<semaphore_mem>>
      %dma_start3A_33 = arith.constant 0 : i32
      %dma_start3A_34 = arith.constant 0 : i32
      %dma_start3A_35 = tpu.memref_slice %arg3[%arg1, %dma_start3A_33, %dma_start3A_34] : memref<16x158x128xi32, #tpu.memory_space<hbm>> -> memref<1x158x128xi32, #tpu.memory_space<hbm>>
      %dma_start3A_36 = tpu.memref_squeeze %dma_start3A_35 : memref<1x158x128xi32, #tpu.memory_space<hbm>> -> memref<158x128xi32, #tpu.memory_space<hbm>>
      %dma_start3A_37 = arith.constant 0 : i32
      %dma_start3A_38 = arith.constant 0 : i32
      %dma_start3A_39 = tpu.memref_slice %arg3[%arg1, %dma_start3A_37, %dma_start3A_38] : memref<16x158x128xi32, #tpu.memory_space<hbm>> -> memref<1x158x128xi32, #tpu.memory_space<hbm>>
      %dma_start3A_40 = tpu.memref_squeeze %dma_start3A_39 : memref<1x158x128xi32, #tpu.memory_space<hbm>> -> memref<158x128xi32, #tpu.memory_space<hbm>>
      tpu.enqueue_dma source(%dma_start3A_40 : memref<158x128xi32, #tpu.memory_space<hbm>>) target(%arg6 : memref<158x128xi32, #tpu.memory_space<vmem>>) target_semaphore(%run_scoped3A : memref<!tpu.dma_semaphore, #tpu.memory_space<semaphore_mem>>)
      %dma_wait3A_41 = arith.constant 0 : i32
      %dma_wait3A_42 = arith.constant 0 : i32
      %dma_wait3A_43 = tpu.memref_slice %arg3[%arg1, %dma_wait3A_41, %dma_wait3A_42] : memref<16x158x128xi32, #tpu.memory_space<hbm>> -> memref<1x158x128xi32, #tpu.memory_space<hbm>>
      %dma_wait3A_44 = tpu.memref_squeeze %dma_wait3A_43 : memref<1x158x128xi32, #tpu.memory_space<hbm>> -> memref<158x128xi32, #tpu.memory_space<hbm>>
      %dma_wait3A_45 = arith.constant 0 : i32
      %dma_wait3A_46 = arith.constant 0 : i32
      %dma_wait3A_47 = tpu.memref_slice %arg3[%arg1, %dma_wait3A_45, %dma_wait3A_46] : memref<16x158x128xi32, #tpu.memory_space<hbm>> -> memref<1x158x128xi32, #tpu.memory_space<hbm>>
      %dma_wait3A_48 = tpu.memref_squeeze %dma_wait3A_47 : memref<1x158x128xi32, #tpu.memory_space<hbm>> -> memref<158x128xi32, #tpu.memory_space<hbm>>
      tpu.wait_dma2 semaphore(%run_scoped3A : memref<!tpu.dma_semaphore, #tpu.memory_space<semaphore_mem>>) src(%dma_wait3A_48 : memref<158x128xi32, #tpu.memory_space<hbm>>) dst(%arg6 : memref<158x128xi32, #tpu.memory_space<vmem>>)
      tpu.yield
    }) : () -> ()
    "tpu.region"() ({
      %run_scoped3A = tpu.sem_alloc : memref<!tpu.dma_semaphore, #tpu.memory_space<semaphore_mem>>
      %dma_start3A_33 = arith.constant 0 : i32
      %dma_start3A_34 = arith.constant 0 : i32
      %dma_start3A_35 = tpu.memref_slice %arg4[%arg1, %dma_start3A_33, %dma_start3A_34] : memref<16x158x128xi32, #tpu.memory_space<hbm>> -> memref<1x158x128xi32, #tpu.memory_space<hbm>>
      %dma_start3A_36 = tpu.memref_squeeze %dma_start3A_35 : memref<1x158x128xi32, #tpu.memory_space<hbm>> -> memref<158x128xi32, #tpu.memory_space<hbm>>
      %dma_start3A_37 = arith.constant 0 : i32
      %dma_start3A_38 = arith.constant 0 : i32
      %dma_start3A_39 = tpu.memref_slice %arg4[%arg1, %dma_start3A_37, %dma_start3A_38] : memref<16x158x128xi32, #tpu.memory_space<hbm>> -> memref<1x158x128xi32, #tpu.memory_space<hbm>>
      %dma_start3A_40 = tpu.memref_squeeze %dma_start3A_39 : memref<1x158x128xi32, #tpu.memory_space<hbm>> -> memref<158x128xi32, #tpu.memory_space<hbm>>
      tpu.enqueue_dma source(%dma_start3A_40 : memref<158x128xi32, #tpu.memory_space<hbm>>) target(%arg7 : memref<158x128xi32, #tpu.memory_space<vmem>>) target_semaphore(%run_scoped3A : memref<!tpu.dma_semaphore, #tpu.memory_space<semaphore_mem>>)
      %dma_wait3A_41 = arith.constant 0 : i32
      %dma_wait3A_42 = arith.constant 0 : i32
      %dma_wait3A_43 = tpu.memref_slice %arg4[%arg1, %dma_wait3A_41, %dma_wait3A_42] : memref<16x158x128xi32, #tpu.memory_space<hbm>> -> memref<1x158x128xi32, #tpu.memory_space<hbm>>
      %dma_wait3A_44 = tpu.memref_squeeze %dma_wait3A_43 : memref<1x158x128xi32, #tpu.memory_space<hbm>> -> memref<158x128xi32, #tpu.memory_space<hbm>>
      %dma_wait3A_45 = arith.constant 0 : i32
      %dma_wait3A_46 = arith.constant 0 : i32
      %dma_wait3A_47 = tpu.memref_slice %arg4[%arg1, %dma_wait3A_45, %dma_wait3A_46] : memref<16x158x128xi32, #tpu.memory_space<hbm>> -> memref<1x158x128xi32, #tpu.memory_space<hbm>>
      %dma_wait3A_48 = tpu.memref_squeeze %dma_wait3A_47 : memref<1x158x128xi32, #tpu.memory_space<hbm>> -> memref<158x128xi32, #tpu.memory_space<hbm>>
      tpu.wait_dma2 semaphore(%run_scoped3A : memref<!tpu.dma_semaphore, #tpu.memory_space<semaphore_mem>>) src(%dma_wait3A_48 : memref<158x128xi32, #tpu.memory_space<hbm>>) dst(%arg7 : memref<158x128xi32, #tpu.memory_space<vmem>>)
      tpu.yield
    }) : () -> ()
    %mul3A = arith.constant 640 : i32
    %mul3A_0 = arith.muli %arg1, %mul3A : i32
    %mul3A_1 = arith.constant 640 : i32
    %mul3A_2 = arith.muli %arg1, %mul3A_1 : i32
    "tpu.region"() ({
      %run_scoped3A = tpu.sem_alloc : memref<!tpu.dma_semaphore, #tpu.memory_space<semaphore_mem>>
      %dma_start3A_33 = arith.constant 0 : i32
      %dma_start3A_34 = tpu.memref_slice %arg10[%mul3A_2, %dma_start3A_33] : memref<10240x128xbf16, #tpu.memory_space<vmem_shared>> -> memref<640x128xbf16, #tpu.memory_space<vmem_shared>>
      %dma_start3A_35 = arith.constant 0 : i32
      %dma_start3A_36 = tpu.memref_slice %arg2[%arg0, %mul3A_0, %dma_start3A_35] : memref<2x10240x128xbf16, #tpu.memory_space<hbm>> -> memref<1x640x128xbf16, #tpu.memory_space<hbm>>
      %dma_start3A_37 = tpu.memref_squeeze %dma_start3A_36 : memref<1x640x128xbf16, #tpu.memory_space<hbm>> -> memref<640x128xbf16, #tpu.memory_space<hbm>>
      tpu.enqueue_dma source(%dma_start3A_37 : memref<640x128xbf16, #tpu.memory_space<hbm>>) target(%dma_start3A_34 : memref<640x128xbf16, #tpu.memory_space<vmem_shared>>) target_semaphore(%run_scoped3A : memref<!tpu.dma_semaphore, #tpu.memory_space<semaphore_mem>>)
      %dma_wait3A_38 = arith.constant 0 : i32
      %dma_wait3A_39 = tpu.memref_slice %arg10[%mul3A_2, %dma_wait3A_38] : memref<10240x128xbf16, #tpu.memory_space<vmem_shared>> -> memref<640x128xbf16, #tpu.memory_space<vmem_shared>>
      %dma_wait3A_40 = arith.constant 0 : i32
      %dma_wait3A_41 = tpu.memref_slice %arg2[%arg0, %mul3A_0, %dma_wait3A_40] : memref<2x10240x128xbf16, #tpu.memory_space<hbm>> -> memref<1x640x128xbf16, #tpu.memory_space<hbm>>
      %dma_wait3A_42 = tpu.memref_squeeze %dma_wait3A_41 : memref<1x640x128xbf16, #tpu.memory_space<hbm>> -> memref<640x128xbf16, #tpu.memory_space<hbm>>
      tpu.wait_dma2 semaphore(%run_scoped3A : memref<!tpu.dma_semaphore, #tpu.memory_space<semaphore_mem>>) src(%dma_wait3A_42 : memref<640x128xbf16, #tpu.memory_space<hbm>>) dst(%dma_wait3A_39 : memref<640x128xbf16, #tpu.memory_space<vmem_shared>>)
      tpu.yield
    }) : () -> ()
    %barrier3A = arith.constant 0 : index
    tpu.barrier barrier_id(%barrier3A)
    %dma_start3A = arith.constant 0 : i32
    %dma_start3A_3 = arith.constant 0 : i32
    %dma_start3A_4 = tpu.memref_slice %arg6[%dma_start3A, %dma_start3A_3] : memref<158x128xi32, #tpu.memory_space<vmem>> -> memref<1x128xi32, #tpu.memory_space<vmem>>
    %dma_start3A_5 = tpu.memref_squeeze %dma_start3A_4 : memref<1x128xi32, #tpu.memory_space<vmem>> -> memref<128xi32, #tpu.memory_space<vmem>>
    %dma_start3A_6 = arith.constant 0 : i32
    %dma_start3A_7 = arith.constant 0 : i32
    %dma_start3A_8 = tpu.memref_slice %arg2[%arg0, %dma_start3A_6, %dma_start3A_7] : memref<2x10240x128xbf16, #tpu.memory_space<hbm>> -> memref<1x10240x128xbf16, #tpu.memory_space<hbm>>
    %dma_start3A_9 = tpu.memref_squeeze %dma_start3A_8 : memref<1x10240x128xbf16, #tpu.memory_space<hbm>> -> memref<10240x128xbf16, #tpu.memory_space<hbm>>
    %dma_start3A_10 = arith.constant 0 : i32
    %dma_start3A_11 = arith.constant 0 : i32
    %dma_start3A_12 = tpu.memref_slice %dma_start3A_9[%dma_start3A_10, %dma_start3A_11] : memref<10240x128xbf16, #tpu.memory_space<hbm>> -> memref<10240x128xbf16, #tpu.memory_space<hbm>>
    tpu.enqueue_indirect_dma source(%dma_start3A_12 : memref<10240x128xbf16, #tpu.memory_space<hbm>>) target(%arg8 : memref<128x128xbf16, #tpu.memory_space<vmem>>) offsets(%dma_start3A_5 : memref<128xi32, #tpu.memory_space<vmem>>) semaphore(%arg11 : memref<!tpu.dma_semaphore, #tpu.memory_space<semaphore_mem>>)
    %scan3A = arith.constant 0 : i32
    %scan3A_13 = arith.constant 0 : i32
    %scan3A_14 = arith.constant 79 : i32
    %scan3A_15 = arith.addi %scan3A_13, %scan3A_14 : i32
    %scan3A_16 = arith.constant 1 : i32
    scf.for %scan3A_33 = %scan3A_13 to %scan3A_15 step %scan3A_16  : i32 {
      %mul3A_34 = arith.constant 2 : i32
      %mul3A_35 = arith.muli %mul3A_34, %scan3A_33 : i32
      %add3A = arith.constant 1 : i32
      %add3A_36 = arith.addi %mul3A_35, %add3A : i32
      %dma_start3A_37 = arith.constant 0 : i32
      %dma_start3A_38 = tpu.memref_slice %arg6[%add3A_36, %dma_start3A_37] : memref<158x128xi32, #tpu.memory_space<vmem>> -> memref<1x128xi32, #tpu.memory_space<vmem>>
      %dma_start3A_39 = tpu.memref_squeeze %dma_start3A_38 : memref<1x128xi32, #tpu.memory_space<vmem>> -> memref<128xi32, #tpu.memory_space<vmem>>
      %dma_start3A_40 = arith.constant 0 : i32
      %dma_start3A_41 = arith.constant 0 : i32
      %dma_start3A_42 = tpu.memref_slice %arg2[%arg0, %dma_start3A_40, %dma_start3A_41] : memref<2x10240x128xbf16, #tpu.memory_space<hbm>> -> memref<1x10240x128xbf16, #tpu.memory_space<hbm>>
      %dma_start3A_43 = tpu.memref_squeeze %dma_start3A_42 : memref<1x10240x128xbf16, #tpu.memory_space<hbm>> -> memref<10240x128xbf16, #tpu.memory_space<hbm>>
      %dma_start3A_44 = arith.constant 0 : i32
      %dma_start3A_45 = arith.constant 0 : i32
      %dma_start3A_46 = tpu.memref_slice %dma_start3A_43[%dma_start3A_44, %dma_start3A_45] : memref<10240x128xbf16, #tpu.memory_space<hbm>> -> memref<10240x128xbf16, #tpu.memory_space<hbm>>
      tpu.enqueue_indirect_dma source(%dma_start3A_46 : memref<10240x128xbf16, #tpu.memory_space<hbm>>) target(%arg9 : memref<128x128xbf16, #tpu.memory_space<vmem>>) offsets(%dma_start3A_39 : memref<128xi32, #tpu.memory_space<vmem>>) semaphore(%arg12 : memref<!tpu.dma_semaphore, #tpu.memory_space<semaphore_mem>>)
      %dma_wait3A_47 = arith.constant 0 : i32
      %dma_wait3A_48 = tpu.memref_slice %arg6[%mul3A_35, %dma_wait3A_47] : memref<158x128xi32, #tpu.memory_space<vmem>> -> memref<1x128xi32, #tpu.memory_space<vmem>>
      %dma_wait3A_49 = tpu.memref_squeeze %dma_wait3A_48 : memref<1x128xi32, #tpu.memory_space<vmem>> -> memref<128xi32, #tpu.memory_space<vmem>>
      %dma_wait3A_50 = arith.constant 0 : i32
      %dma_wait3A_51 = arith.constant 0 : i32
      %dma_wait3A_52 = tpu.memref_slice %arg2[%arg0, %dma_wait3A_50, %dma_wait3A_51] : memref<2x10240x128xbf16, #tpu.memory_space<hbm>> -> memref<1x10240x128xbf16, #tpu.memory_space<hbm>>
      %dma_wait3A_53 = tpu.memref_squeeze %dma_wait3A_52 : memref<1x10240x128xbf16, #tpu.memory_space<hbm>> -> memref<10240x128xbf16, #tpu.memory_space<hbm>>
      %dma_wait3A_54 = arith.constant 0 : i32
      %dma_wait3A_55 = arith.constant 0 : i32
      %dma_wait3A_56 = tpu.memref_slice %dma_wait3A_53[%dma_wait3A_54, %dma_wait3A_55] : memref<10240x128xbf16, #tpu.memory_space<hbm>> -> memref<10240x128xbf16, #tpu.memory_space<hbm>>
      tpu.wait_indirect_dma semaphore(%arg11 : memref<!tpu.dma_semaphore, #tpu.memory_space<semaphore_mem>>) src(%dma_wait3A_56 : memref<10240x128xbf16, #tpu.memory_space<hbm>>) dst(%arg8 : memref<128x128xbf16, #tpu.memory_space<vmem>>)
      "tpu.region"() ({
        %run_scoped3A = tpu.sem_alloc : memref<!tpu.dma_semaphore, #tpu.memory_space<semaphore_mem>>
        %dma_start3A_80 = arith.constant 0 : i32
        %dma_start3A_81 = tpu.memref_slice %arg7[%mul3A_35, %dma_start3A_80] : memref<158x128xi32, #tpu.memory_space<vmem>> -> memref<1x128xi32, #tpu.memory_space<vmem>>
        %dma_start3A_82 = tpu.memref_squeeze %dma_start3A_81 : memref<1x128xi32, #tpu.memory_space<vmem>> -> memref<128xi32, #tpu.memory_space<vmem>>
        %dma_start3A_83 = arith.constant 0 : i32
        %dma_start3A_84 = arith.constant 0 : i32
        %dma_start3A_85 = tpu.memref_slice %arg10[%dma_start3A_83, %dma_start3A_84] : memref<10240x128xbf16, #tpu.memory_space<vmem_shared>> -> memref<10240x128xbf16, #tpu.memory_space<vmem_shared>>
        tpu.enqueue_indirect_dma source(%arg8 : memref<128x128xbf16, #tpu.memory_space<vmem>>) target(%dma_start3A_85 : memref<10240x128xbf16, #tpu.memory_space<vmem_shared>>) offsets(%dma_start3A_82 : memref<128xi32, #tpu.memory_space<vmem>>) semaphore(%run_scoped3A : memref<!tpu.dma_semaphore, #tpu.memory_space<semaphore_mem>>) {add = true}
        %dma_wait3A_86 = arith.constant 0 : i32
        %dma_wait3A_87 = tpu.memref_slice %arg7[%mul3A_35, %dma_wait3A_86] : memref<158x128xi32, #tpu.memory_space<vmem>> -> memref<1x128xi32, #tpu.memory_space<vmem>>
        %dma_wait3A_88 = tpu.memref_squeeze %dma_wait3A_87 : memref<1x128xi32, #tpu.memory_space<vmem>> -> memref<128xi32, #tpu.memory_space<vmem>>
        %dma_wait3A_89 = arith.constant 0 : i32
        %dma_wait3A_90 = arith.constant 0 : i32
        %dma_wait3A_91 = tpu.memref_slice %arg10[%dma_wait3A_89, %dma_wait3A_90] : memref<10240x128xbf16, #tpu.memory_space<vmem_shared>> -> memref<10240x128xbf16, #tpu.memory_space<vmem_shared>>
        tpu.wait_indirect_dma semaphore(%run_scoped3A : memref<!tpu.dma_semaphore, #tpu.memory_space<semaphore_mem>>) src(%arg8 : memref<128x128xbf16, #tpu.memory_space<vmem>>) dst(%dma_wait3A_91 : memref<10240x128xbf16, #tpu.memory_space<vmem_shared>>)
        tpu.yield
      }) : () -> ()
      %lt3A = arith.constant 78 : i32
      %lt3A_57 = arith.cmpi slt, %scan3A_33, %lt3A : i32
      %add3A_58 = arith.constant 2 : i32
      %add3A_59 = arith.addi %mul3A_35, %add3A_58 : i32
      %jit3A = arith.constant 0 : i32
      %select_n3A = arith.select %lt3A_57, %add3A_59, %jit3A : i32
      %dma_start3A_60 = arith.constant 0 : i32
      %dma_start3A_61 = tpu.memref_slice %arg6[%select_n3A, %dma_start3A_60] : memref<158x128xi32, #tpu.memory_space<vmem>> -> memref<1x128xi32, #tpu.memory_space<vmem>>
      %dma_start3A_62 = tpu.memref_squeeze %dma_start3A_61 : memref<1x128xi32, #tpu.memory_space<vmem>> -> memref<128xi32, #tpu.memory_space<vmem>>
      %dma_start3A_63 = arith.constant 0 : i32
      %dma_start3A_64 = arith.constant 0 : i32
      %dma_start3A_65 = tpu.memref_slice %arg2[%arg0, %dma_start3A_63, %dma_start3A_64] : memref<2x10240x128xbf16, #tpu.memory_space<hbm>> -> memref<1x10240x128xbf16, #tpu.memory_space<hbm>>
      %dma_start3A_66 = tpu.memref_squeeze %dma_start3A_65 : memref<1x10240x128xbf16, #tpu.memory_space<hbm>> -> memref<10240x128xbf16, #tpu.memory_space<hbm>>
      %dma_start3A_67 = arith.constant 0 : i32
      %dma_start3A_68 = arith.constant 0 : i32
      %dma_start3A_69 = tpu.memref_slice %dma_start3A_66[%dma_start3A_67, %dma_start3A_68] : memref<10240x128xbf16, #tpu.memory_space<hbm>> -> memref<10240x128xbf16, #tpu.memory_space<hbm>>
      tpu.enqueue_indirect_dma source(%dma_start3A_69 : memref<10240x128xbf16, #tpu.memory_space<hbm>>) target(%arg8 : memref<128x128xbf16, #tpu.memory_space<vmem>>) offsets(%dma_start3A_62 : memref<128xi32, #tpu.memory_space<vmem>>) semaphore(%arg11 : memref<!tpu.dma_semaphore, #tpu.memory_space<semaphore_mem>>)
      %dma_wait3A_70 = arith.constant 0 : i32
      %dma_wait3A_71 = tpu.memref_slice %arg6[%add3A_36, %dma_wait3A_70] : memref<158x128xi32, #tpu.memory_space<vmem>> -> memref<1x128xi32, #tpu.memory_space<vmem>>
      %dma_wait3A_72 = tpu.memref_squeeze %dma_wait3A_71 : memref<1x128xi32, #tpu.memory_space<vmem>> -> memref<128xi32, #tpu.memory_space<vmem>>
      %dma_wait3A_73 = arith.constant 0 : i32
      %dma_wait3A_74 = arith.constant 0 : i32
      %dma_wait3A_75 = tpu.memref_slice %arg2[%arg0, %dma_wait3A_73, %dma_wait3A_74] : memref<2x10240x128xbf16, #tpu.memory_space<hbm>> -> memref<1x10240x128xbf16, #tpu.memory_space<hbm>>
      %dma_wait3A_76 = tpu.memref_squeeze %dma_wait3A_75 : memref<1x10240x128xbf16, #tpu.memory_space<hbm>> -> memref<10240x128xbf16, #tpu.memory_space<hbm>>
      %dma_wait3A_77 = arith.constant 0 : i32
      %dma_wait3A_78 = arith.constant 0 : i32
      %dma_wait3A_79 = tpu.memref_slice %dma_wait3A_76[%dma_wait3A_77, %dma_wait3A_78] : memref<10240x128xbf16, #tpu.memory_space<hbm>> -> memref<10240x128xbf16, #tpu.memory_space<hbm>>
      tpu.wait_indirect_dma semaphore(%arg12 : memref<!tpu.dma_semaphore, #tpu.memory_space<semaphore_mem>>) src(%dma_wait3A_79 : memref<10240x128xbf16, #tpu.memory_space<hbm>>) dst(%arg9 : memref<128x128xbf16, #tpu.memory_space<vmem>>)
      "tpu.region"() ({
        %run_scoped3A = tpu.sem_alloc : memref<!tpu.dma_semaphore, #tpu.memory_space<semaphore_mem>>
        %dma_start3A_80 = arith.constant 0 : i32
        %dma_start3A_81 = tpu.memref_slice %arg7[%add3A_36, %dma_start3A_80] : memref<158x128xi32, #tpu.memory_space<vmem>> -> memref<1x128xi32, #tpu.memory_space<vmem>>
        %dma_start3A_82 = tpu.memref_squeeze %dma_start3A_81 : memref<1x128xi32, #tpu.memory_space<vmem>> -> memref<128xi32, #tpu.memory_space<vmem>>
        %dma_start3A_83 = arith.constant 0 : i32
        %dma_start3A_84 = arith.constant 0 : i32
        %dma_start3A_85 = tpu.memref_slice %arg10[%dma_start3A_83, %dma_start3A_84] : memref<10240x128xbf16, #tpu.memory_space<vmem_shared>> -> memref<10240x128xbf16, #tpu.memory_space<vmem_shared>>
        tpu.enqueue_indirect_dma source(%arg9 : memref<128x128xbf16, #tpu.memory_space<vmem>>) target(%dma_start3A_85 : memref<10240x128xbf16, #tpu.memory_space<vmem_shared>>) offsets(%dma_start3A_82 : memref<128xi32, #tpu.memory_space<vmem>>) semaphore(%run_scoped3A : memref<!tpu.dma_semaphore, #tpu.memory_space<semaphore_mem>>) {add = true}
        %dma_wait3A_86 = arith.constant 0 : i32
        %dma_wait3A_87 = tpu.memref_slice %arg7[%add3A_36, %dma_wait3A_86] : memref<158x128xi32, #tpu.memory_space<vmem>> -> memref<1x128xi32, #tpu.memory_space<vmem>>
        %dma_wait3A_88 = tpu.memref_squeeze %dma_wait3A_87 : memref<1x128xi32, #tpu.memory_space<vmem>> -> memref<128xi32, #tpu.memory_space<vmem>>
        %dma_wait3A_89 = arith.constant 0 : i32
        %dma_wait3A_90 = arith.constant 0 : i32
        %dma_wait3A_91 = tpu.memref_slice %arg10[%dma_wait3A_89, %dma_wait3A_90] : memref<10240x128xbf16, #tpu.memory_space<vmem_shared>> -> memref<10240x128xbf16, #tpu.memory_space<vmem_shared>>
        tpu.wait_indirect_dma semaphore(%run_scoped3A : memref<!tpu.dma_semaphore, #tpu.memory_space<semaphore_mem>>) src(%arg9 : memref<128x128xbf16, #tpu.memory_space<vmem>>) dst(%dma_wait3A_91 : memref<10240x128xbf16, #tpu.memory_space<vmem_shared>>)
        tpu.yield
      }) : () -> ()
    }
    %scan3A_17 = arith.constant 79 : i32
    %dma_wait3A = arith.constant 0 : i32
    %dma_wait3A_18 = arith.constant 0 : i32
    %dma_wait3A_19 = tpu.memref_slice %arg6[%dma_wait3A, %dma_wait3A_18] : memref<158x128xi32, #tpu.memory_space<vmem>> -> memref<1x128xi32, #tpu.memory_space<vmem>>
    %dma_wait3A_20 = tpu.memref_squeeze %dma_wait3A_19 : memref<1x128xi32, #tpu.memory_space<vmem>> -> memref<128xi32, #tpu.memory_space<vmem>>
    %dma_wait3A_21 = arith.constant 0 : i32
    %dma_wait3A_22 = arith.constant 0 : i32
    %dma_wait3A_23 = tpu.memref_slice %arg2[%arg0, %dma_wait3A_21, %dma_wait3A_22] : memref<2x10240x128xbf16, #tpu.memory_space<hbm>> -> memref<1x10240x128xbf16, #tpu.memory_space<hbm>>
    %dma_wait3A_24 = tpu.memref_squeeze %dma_wait3A_23 : memref<1x10240x128xbf16, #tpu.memory_space<hbm>> -> memref<10240x128xbf16, #tpu.memory_space<hbm>>
    %dma_wait3A_25 = arith.constant 0 : i32
    %dma_wait3A_26 = arith.constant 0 : i32
    %dma_wait3A_27 = tpu.memref_slice %dma_wait3A_24[%dma_wait3A_25, %dma_wait3A_26] : memref<10240x128xbf16, #tpu.memory_space<hbm>> -> memref<10240x128xbf16, #tpu.memory_space<hbm>>
    tpu.wait_indirect_dma semaphore(%arg11 : memref<!tpu.dma_semaphore, #tpu.memory_space<semaphore_mem>>) src(%dma_wait3A_27 : memref<10240x128xbf16, #tpu.memory_space<hbm>>) dst(%arg8 : memref<128x128xbf16, #tpu.memory_space<vmem>>)
    %barrier3A_28 = arith.constant 0 : index
    tpu.barrier barrier_id(%barrier3A_28)
    %mul3A_29 = arith.constant 640 : i32
    %mul3A_30 = arith.muli %arg1, %mul3A_29 : i32
    %mul3A_31 = arith.constant 640 : i32
    %mul3A_32 = arith.muli %arg1, %mul3A_31 : i32
    "tpu.region"() ({
      %run_scoped3A = tpu.sem_alloc : memref<!tpu.dma_semaphore, #tpu.memory_space<semaphore_mem>>
      %dma_start3A_33 = arith.constant 0 : i32
      %dma_start3A_34 = tpu.memref_slice %arg5[%arg0, %mul3A_32, %dma_start3A_33] : memref<2x10240x128xbf16, #tpu.memory_space<hbm>> -> memref<1x640x128xbf16, #tpu.memory_space<hbm>>
      %dma_start3A_35 = tpu.memref_squeeze %dma_start3A_34 : memref<1x640x128xbf16, #tpu.memory_space<hbm>> -> memref<640x128xbf16, #tpu.memory_space<hbm>>
      %dma_start3A_36 = arith.constant 0 : i32
      %dma_start3A_37 = tpu.memref_slice %arg10[%mul3A_30, %dma_start3A_36] : memref<10240x128xbf16, #tpu.memory_space<vmem_shared>> -> memref<640x128xbf16, #tpu.memory_space<vmem_shared>>
      tpu.enqueue_dma source(%dma_start3A_37 : memref<640x128xbf16, #tpu.memory_space<vmem_shared>>) target(%dma_start3A_35 : memref<640x128xbf16, #tpu.memory_space<hbm>>) target_semaphore(%run_scoped3A : memref<!tpu.dma_semaphore, #tpu.memory_space<semaphore_mem>>)
      %dma_wait3A_38 = arith.constant 0 : i32
      %dma_wait3A_39 = tpu.memref_slice %arg5[%arg0, %mul3A_32, %dma_wait3A_38] : memref<2x10240x128xbf16, #tpu.memory_space<hbm>> -> memref<1x640x128xbf16, #tpu.memory_space<hbm>>
      %dma_wait3A_40 = tpu.memref_squeeze %dma_wait3A_39 : memref<1x640x128xbf16, #tpu.memory_space<hbm>> -> memref<640x128xbf16, #tpu.memory_space<hbm>>
      %dma_wait3A_41 = arith.constant 0 : i32
      %dma_wait3A_42 = tpu.memref_slice %arg10[%mul3A_30, %dma_wait3A_41] : memref<10240x128xbf16, #tpu.memory_space<vmem_shared>> -> memref<640x128xbf16, #tpu.memory_space<vmem_shared>>
      tpu.wait_dma2 semaphore(%run_scoped3A : memref<!tpu.dma_semaphore, #tpu.memory_space<semaphore_mem>>) src(%dma_wait3A_42 : memref<640x128xbf16, #tpu.memory_space<vmem_shared>>) dst(%dma_wait3A_40 : memref<640x128xbf16, #tpu.memory_space<hbm>>)
      tpu.yield
    }) : () -> ()
    return
  }
}

#map = affine_map<(d0, d1) -> (0, 0, 0)>
module attributes {stable_mosaic.version = 14 : i64} {
  func.func @_agg_body(%arg0: i32, %arg1: i32, %arg2: memref<2x10240x128xbf16, #tpu.memory_space<hbm>>, %arg3: memref<16x158x128xi32, #tpu.memory_space<hbm>>, %arg4: memref<16x158x128xi32, #tpu.memory_space<hbm>>, %arg5: memref<2x10240x128xbf16, #tpu.memory_space<hbm>>, %arg6: memref<158x128xi32, #tpu.memory_space<vmem>>, %arg7: memref<158x128xi32, #tpu.memory_space<vmem>>, %arg8: memref<128x128xbf16, #tpu.memory_space<vmem>>, %arg9: memref<128x128xbf16, #tpu.memory_space<vmem>>, %arg10: memref<10240x128xbf16, #tpu.memory_space<vmem_shared>>, %arg11: memref<!tpu.dma_semaphore, #tpu.memory_space<semaphore_mem>>, %arg12: memref<!tpu.dma_semaphore, #tpu.memory_space<semaphore_mem>>) attributes {dimension_semantics = [#tpu.dimension_semantics<core_parallel>, #tpu.dimension_semantics<subcore_parallel>], iteration_bounds = array<i64: 2, 16>, scalar_prefetch = 0 : i64, scratch_operands = 7 : i64, tpu.core_type = #tpu.core_type<sc_vector_subcore>, window_params = [{transform_indices = #map}, {transform_indices = #map}, {transform_indices = #map}, {transform_indices = #map}]} {
    "tpu.region"() ({
      %run_scoped3A = tpu.sem_alloc : memref<!tpu.dma_semaphore, #tpu.memory_space<semaphore_mem>>
      %dma_start3A_33 = arith.constant 0 : i32
      %dma_start3A_34 = arith.constant 0 : i32
      %dma_start3A_35 = tpu.memref_slice %arg3[%arg1, %dma_start3A_33, %dma_start3A_34] : memref<16x158x128xi32, #tpu.memory_space<hbm>> -> memref<1x158x128xi32, #tpu.memory_space<hbm>>
      %dma_start3A_36 = tpu.memref_squeeze %dma_start3A_35 : memref<1x158x128xi32, #tpu.memory_space<hbm>> -> memref<158x128xi32, #tpu.memory_space<hbm>>
      %dma_start3A_37 = arith.constant 0 : i32
      %dma_start3A_38 = arith.constant 0 : i32
      %dma_start3A_39 = tpu.memref_slice %arg3[%arg1, %dma_start3A_37, %dma_start3A_38] : memref<16x158x128xi32, #tpu.memory_space<hbm>> -> memref<1x158x128xi32, #tpu.memory_space<hbm>>
      %dma_start3A_40 = tpu.memref_squeeze %dma_start3A_39 : memref<1x158x128xi32, #tpu.memory_space<hbm>> -> memref<158x128xi32, #tpu.memory_space<hbm>>
      tpu.enqueue_dma source(%dma_start3A_40 : memref<158x128xi32, #tpu.memory_space<hbm>>) target(%arg6 : memref<158x128xi32, #tpu.memory_space<vmem>>) target_semaphore(%run_scoped3A : memref<!tpu.dma_semaphore, #tpu.memory_space<semaphore_mem>>)
      %dma_wait3A_41 = arith.constant 0 : i32
      %dma_wait3A_42 = arith.constant 0 : i32
      %dma_wait3A_43 = tpu.memref_slice %arg3[%arg1, %dma_wait3A_41, %dma_wait3A_42] : memref<16x158x128xi32, #tpu.memory_space<hbm>> -> memref<1x158x128xi32, #tpu.memory_space<hbm>>
      %dma_wait3A_44 = tpu.memref_squeeze %dma_wait3A_43 : memref<1x158x128xi32, #tpu.memory_space<hbm>> -> memref<158x128xi32, #tpu.memory_space<hbm>>
      %dma_wait3A_45 = arith.constant 0 : i32
      %dma_wait3A_46 = arith.constant 0 : i32
      %dma_wait3A_47 = tpu.memref_slice %arg3[%arg1, %dma_wait3A_45, %dma_wait3A_46] : memref<16x158x128xi32, #tpu.memory_space<hbm>> -> memref<1x158x128xi32, #tpu.memory_space<hbm>>
      %dma_wait3A_48 = tpu.memref_squeeze %dma_wait3A_47 : memref<1x158x128xi32, #tpu.memory_space<hbm>> -> memref<158x128xi32, #tpu.memory_space<hbm>>
      tpu.wait_dma2 semaphore(%run_scoped3A : memref<!tpu.dma_semaphore, #tpu.memory_space<semaphore_mem>>) src(%dma_wait3A_48 : memref<158x128xi32, #tpu.memory_space<hbm>>) dst(%arg6 : memref<158x128xi32, #tpu.memory_space<vmem>>)
      tpu.yield
    }) : () -> ()
    "tpu.region"() ({
      %run_scoped3A = tpu.sem_alloc : memref<!tpu.dma_semaphore, #tpu.memory_space<semaphore_mem>>
      %dma_start3A_33 = arith.constant 0 : i32
      %dma_start3A_34 = arith.constant 0 : i32
      %dma_start3A_35 = tpu.memref_slice %arg4[%arg1, %dma_start3A_33, %dma_start3A_34] : memref<16x158x128xi32, #tpu.memory_space<hbm>> -> memref<1x158x128xi32, #tpu.memory_space<hbm>>
      %dma_start3A_36 = tpu.memref_squeeze %dma_start3A_35 : memref<1x158x128xi32, #tpu.memory_space<hbm>> -> memref<158x128xi32, #tpu.memory_space<hbm>>
      %dma_start3A_37 = arith.constant 0 : i32
      %dma_start3A_38 = arith.constant 0 : i32
      %dma_start3A_39 = tpu.memref_slice %arg4[%arg1, %dma_start3A_37, %dma_start3A_38] : memref<16x158x128xi32, #tpu.memory_space<hbm>> -> memref<1x158x128xi32, #tpu.memory_space<hbm>>
      %dma_start3A_40 = tpu.memref_squeeze %dma_start3A_39 : memref<1x158x128xi32, #tpu.memory_space<hbm>> -> memref<158x128xi32, #tpu.memory_space<hbm>>
      tpu.enqueue_dma source(%dma_start3A_40 : memref<158x128xi32, #tpu.memory_space<hbm>>) target(%arg7 : memref<158x128xi32, #tpu.memory_space<vmem>>) target_semaphore(%run_scoped3A : memref<!tpu.dma_semaphore, #tpu.memory_space<semaphore_mem>>)
      %dma_wait3A_41 = arith.constant 0 : i32
      %dma_wait3A_42 = arith.constant 0 : i32
      %dma_wait3A_43 = tpu.memref_slice %arg4[%arg1, %dma_wait3A_41, %dma_wait3A_42] : memref<16x158x128xi32, #tpu.memory_space<hbm>> -> memref<1x158x128xi32, #tpu.memory_space<hbm>>
      %dma_wait3A_44 = tpu.memref_squeeze %dma_wait3A_43 : memref<1x158x128xi32, #tpu.memory_space<hbm>> -> memref<158x128xi32, #tpu.memory_space<hbm>>
      %dma_wait3A_45 = arith.constant 0 : i32
      %dma_wait3A_46 = arith.constant 0 : i32
      %dma_wait3A_47 = tpu.memref_slice %arg4[%arg1, %dma_wait3A_45, %dma_wait3A_46] : memref<16x158x128xi32, #tpu.memory_space<hbm>> -> memref<1x158x128xi32, #tpu.memory_space<hbm>>
      %dma_wait3A_48 = tpu.memref_squeeze %dma_wait3A_47 : memref<1x158x128xi32, #tpu.memory_space<hbm>> -> memref<158x128xi32, #tpu.memory_space<hbm>>
      tpu.wait_dma2 semaphore(%run_scoped3A : memref<!tpu.dma_semaphore, #tpu.memory_space<semaphore_mem>>) src(%dma_wait3A_48 : memref<158x128xi32, #tpu.memory_space<hbm>>) dst(%arg7 : memref<158x128xi32, #tpu.memory_space<vmem>>)
      tpu.yield
    }) : () -> ()
    %mul3A = arith.constant 640 : i32
    %mul3A_0 = arith.muli %arg1, %mul3A : i32
    %mul3A_1 = arith.constant 640 : i32
    %mul3A_2 = arith.muli %arg1, %mul3A_1 : i32
    "tpu.region"() ({
      %run_scoped3A = tpu.sem_alloc : memref<!tpu.dma_semaphore, #tpu.memory_space<semaphore_mem>>
      %dma_start3A_33 = arith.constant 0 : i32
      %dma_start3A_34 = tpu.memref_slice %arg10[%mul3A_2, %dma_start3A_33] : memref<10240x128xbf16, #tpu.memory_space<vmem_shared>> -> memref<640x128xbf16, #tpu.memory_space<vmem_shared>>
      %dma_start3A_35 = arith.constant 0 : i32
      %dma_start3A_36 = tpu.memref_slice %arg2[%arg0, %mul3A_0, %dma_start3A_35] : memref<2x10240x128xbf16, #tpu.memory_space<hbm>> -> memref<1x640x128xbf16, #tpu.memory_space<hbm>>
      %dma_start3A_37 = tpu.memref_squeeze %dma_start3A_36 : memref<1x640x128xbf16, #tpu.memory_space<hbm>> -> memref<640x128xbf16, #tpu.memory_space<hbm>>
      tpu.enqueue_dma source(%dma_start3A_37 : memref<640x128xbf16, #tpu.memory_space<hbm>>) target(%dma_start3A_34 : memref<640x128xbf16, #tpu.memory_space<vmem_shared>>) target_semaphore(%run_scoped3A : memref<!tpu.dma_semaphore, #tpu.memory_space<semaphore_mem>>)
      %dma_wait3A_38 = arith.constant 0 : i32
      %dma_wait3A_39 = tpu.memref_slice %arg10[%mul3A_2, %dma_wait3A_38] : memref<10240x128xbf16, #tpu.memory_space<vmem_shared>> -> memref<640x128xbf16, #tpu.memory_space<vmem_shared>>
      %dma_wait3A_40 = arith.constant 0 : i32
      %dma_wait3A_41 = tpu.memref_slice %arg2[%arg0, %mul3A_0, %dma_wait3A_40] : memref<2x10240x128xbf16, #tpu.memory_space<hbm>> -> memref<1x640x128xbf16, #tpu.memory_space<hbm>>
      %dma_wait3A_42 = tpu.memref_squeeze %dma_wait3A_41 : memref<1x640x128xbf16, #tpu.memory_space<hbm>> -> memref<640x128xbf16, #tpu.memory_space<hbm>>
      tpu.wait_dma2 semaphore(%run_scoped3A : memref<!tpu.dma_semaphore, #tpu.memory_space<semaphore_mem>>) src(%dma_wait3A_42 : memref<640x128xbf16, #tpu.memory_space<hbm>>) dst(%dma_wait3A_39 : memref<640x128xbf16, #tpu.memory_space<vmem_shared>>)
      tpu.yield
    }) : () -> ()
    %barrier3A = arith.constant 0 : index
    tpu.barrier barrier_id(%barrier3A)
    %dma_start3A = arith.constant 0 : i32
    %dma_start3A_3 = arith.constant 0 : i32
    %dma_start3A_4 = tpu.memref_slice %arg6[%dma_start3A, %dma_start3A_3] : memref<158x128xi32, #tpu.memory_space<vmem>> -> memref<1x128xi32, #tpu.memory_space<vmem>>
    %dma_start3A_5 = tpu.memref_squeeze %dma_start3A_4 : memref<1x128xi32, #tpu.memory_space<vmem>> -> memref<128xi32, #tpu.memory_space<vmem>>
    %dma_start3A_6 = arith.constant 0 : i32
    %dma_start3A_7 = arith.constant 0 : i32
    %dma_start3A_8 = tpu.memref_slice %arg2[%arg0, %dma_start3A_6, %dma_start3A_7] : memref<2x10240x128xbf16, #tpu.memory_space<hbm>> -> memref<1x10240x128xbf16, #tpu.memory_space<hbm>>
    %dma_start3A_9 = tpu.memref_squeeze %dma_start3A_8 : memref<1x10240x128xbf16, #tpu.memory_space<hbm>> -> memref<10240x128xbf16, #tpu.memory_space<hbm>>
    %dma_start3A_10 = arith.constant 0 : i32
    %dma_start3A_11 = arith.constant 0 : i32
    %dma_start3A_12 = tpu.memref_slice %dma_start3A_9[%dma_start3A_10, %dma_start3A_11] : memref<10240x128xbf16, #tpu.memory_space<hbm>> -> memref<10240x128xbf16, #tpu.memory_space<hbm>>
    tpu.enqueue_indirect_dma source(%dma_start3A_12 : memref<10240x128xbf16, #tpu.memory_space<hbm>>) target(%arg8 : memref<128x128xbf16, #tpu.memory_space<vmem>>) offsets(%dma_start3A_5 : memref<128xi32, #tpu.memory_space<vmem>>) semaphore(%arg11 : memref<!tpu.dma_semaphore, #tpu.memory_space<semaphore_mem>>)
    %scan3A = arith.constant 0 : i32
    %scan3A_13 = arith.constant 0 : i32
    %scan3A_14 = arith.constant 79 : i32
    %scan3A_15 = arith.addi %scan3A_13, %scan3A_14 : i32
    %scan3A_16 = arith.constant 1 : i32
    scf.for %scan3A_33 = %scan3A_13 to %scan3A_15 step %scan3A_16  : i32 {
      %mul3A_34 = arith.constant 2 : i32
      %mul3A_35 = arith.muli %mul3A_34, %scan3A_33 : i32
      %add3A = arith.constant 1 : i32
      %add3A_36 = arith.addi %mul3A_35, %add3A : i32
      %dma_start3A_37 = arith.constant 0 : i32
      %dma_start3A_38 = tpu.memref_slice %arg6[%add3A_36, %dma_start3A_37] : memref<158x128xi32, #tpu.memory_space<vmem>> -> memref<1x128xi32, #tpu.memory_space<vmem>>
      %dma_start3A_39 = tpu.memref_squeeze %dma_start3A_38 : memref<1x128xi32, #tpu.memory_space<vmem>> -> memref<128xi32, #tpu.memory_space<vmem>>
      %dma_start3A_40 = arith.constant 0 : i32
      %dma_start3A_41 = arith.constant 0 : i32
      %dma_start3A_42 = tpu.memref_slice %arg2[%arg0, %dma_start3A_40, %dma_start3A_41] : memref<2x10240x128xbf16, #tpu.memory_space<hbm>> -> memref<1x10240x128xbf16, #tpu.memory_space<hbm>>
      %dma_start3A_43 = tpu.memref_squeeze %dma_start3A_42 : memref<1x10240x128xbf16, #tpu.memory_space<hbm>> -> memref<10240x128xbf16, #tpu.memory_space<hbm>>
      %dma_start3A_44 = arith.constant 0 : i32
      %dma_start3A_45 = arith.constant 0 : i32
      %dma_start3A_46 = tpu.memref_slice %dma_start3A_43[%dma_start3A_44, %dma_start3A_45] : memref<10240x128xbf16, #tpu.memory_space<hbm>> -> memref<10240x128xbf16, #tpu.memory_space<hbm>>
      tpu.enqueue_indirect_dma source(%dma_start3A_46 : memref<10240x128xbf16, #tpu.memory_space<hbm>>) target(%arg9 : memref<128x128xbf16, #tpu.memory_space<vmem>>) offsets(%dma_start3A_39 : memref<128xi32, #tpu.memory_space<vmem>>) semaphore(%arg12 : memref<!tpu.dma_semaphore, #tpu.memory_space<semaphore_mem>>)
      %dma_wait3A_47 = arith.constant 0 : i32
      %dma_wait3A_48 = tpu.memref_slice %arg6[%mul3A_35, %dma_wait3A_47] : memref<158x128xi32, #tpu.memory_space<vmem>> -> memref<1x128xi32, #tpu.memory_space<vmem>>
      %dma_wait3A_49 = tpu.memref_squeeze %dma_wait3A_48 : memref<1x128xi32, #tpu.memory_space<vmem>> -> memref<128xi32, #tpu.memory_space<vmem>>
      %dma_wait3A_50 = arith.constant 0 : i32
      %dma_wait3A_51 = arith.constant 0 : i32
      %dma_wait3A_52 = tpu.memref_slice %arg2[%arg0, %dma_wait3A_50, %dma_wait3A_51] : memref<2x10240x128xbf16, #tpu.memory_space<hbm>> -> memref<1x10240x128xbf16, #tpu.memory_space<hbm>>
      %dma_wait3A_53 = tpu.memref_squeeze %dma_wait3A_52 : memref<1x10240x128xbf16, #tpu.memory_space<hbm>> -> memref<10240x128xbf16, #tpu.memory_space<hbm>>
      %dma_wait3A_54 = arith.constant 0 : i32
      %dma_wait3A_55 = arith.constant 0 : i32
      %dma_wait3A_56 = tpu.memref_slice %dma_wait3A_53[%dma_wait3A_54, %dma_wait3A_55] : memref<10240x128xbf16, #tpu.memory_space<hbm>> -> memref<10240x128xbf16, #tpu.memory_space<hbm>>
      tpu.wait_indirect_dma semaphore(%arg11 : memref<!tpu.dma_semaphore, #tpu.memory_space<semaphore_mem>>) src(%dma_wait3A_56 : memref<10240x128xbf16, #tpu.memory_space<hbm>>) dst(%arg8 : memref<128x128xbf16, #tpu.memory_space<vmem>>)
      "tpu.region"() ({
        %run_scoped3A = tpu.sem_alloc : memref<!tpu.dma_semaphore, #tpu.memory_space<semaphore_mem>>
        %dma_start3A_80 = arith.constant 0 : i32
        %dma_start3A_81 = tpu.memref_slice %arg7[%mul3A_35, %dma_start3A_80] : memref<158x128xi32, #tpu.memory_space<vmem>> -> memref<1x128xi32, #tpu.memory_space<vmem>>
        %dma_start3A_82 = tpu.memref_squeeze %dma_start3A_81 : memref<1x128xi32, #tpu.memory_space<vmem>> -> memref<128xi32, #tpu.memory_space<vmem>>
        %dma_start3A_83 = arith.constant 0 : i32
        %dma_start3A_84 = arith.constant 0 : i32
        %dma_start3A_85 = tpu.memref_slice %arg10[%dma_start3A_83, %dma_start3A_84] : memref<10240x128xbf16, #tpu.memory_space<vmem_shared>> -> memref<10240x128xbf16, #tpu.memory_space<vmem_shared>>
        tpu.enqueue_indirect_dma source(%arg8 : memref<128x128xbf16, #tpu.memory_space<vmem>>) target(%dma_start3A_85 : memref<10240x128xbf16, #tpu.memory_space<vmem_shared>>) offsets(%dma_start3A_82 : memref<128xi32, #tpu.memory_space<vmem>>) semaphore(%run_scoped3A : memref<!tpu.dma_semaphore, #tpu.memory_space<semaphore_mem>>) {add = true}
        %dma_wait3A_86 = arith.constant 0 : i32
        %dma_wait3A_87 = tpu.memref_slice %arg7[%mul3A_35, %dma_wait3A_86] : memref<158x128xi32, #tpu.memory_space<vmem>> -> memref<1x128xi32, #tpu.memory_space<vmem>>
        %dma_wait3A_88 = tpu.memref_squeeze %dma_wait3A_87 : memref<1x128xi32, #tpu.memory_space<vmem>> -> memref<128xi32, #tpu.memory_space<vmem>>
        %dma_wait3A_89 = arith.constant 0 : i32
        %dma_wait3A_90 = arith.constant 0 : i32
        %dma_wait3A_91 = tpu.memref_slice %arg10[%dma_wait3A_89, %dma_wait3A_90] : memref<10240x128xbf16, #tpu.memory_space<vmem_shared>> -> memref<10240x128xbf16, #tpu.memory_space<vmem_shared>>
        tpu.wait_indirect_dma semaphore(%run_scoped3A : memref<!tpu.dma_semaphore, #tpu.memory_space<semaphore_mem>>) src(%arg8 : memref<128x128xbf16, #tpu.memory_space<vmem>>) dst(%dma_wait3A_91 : memref<10240x128xbf16, #tpu.memory_space<vmem_shared>>)
        tpu.yield
      }) : () -> ()
      %lt3A = arith.constant 78 : i32
      %lt3A_57 = arith.cmpi slt, %scan3A_33, %lt3A : i32
      %add3A_58 = arith.constant 2 : i32
      %add3A_59 = arith.addi %mul3A_35, %add3A_58 : i32
      %jit3A = arith.constant 0 : i32
      %select_n3A = arith.select %lt3A_57, %add3A_59, %jit3A : i32
      %dma_start3A_60 = arith.constant 0 : i32
      %dma_start3A_61 = tpu.memref_slice %arg6[%select_n3A, %dma_start3A_60] : memref<158x128xi32, #tpu.memory_space<vmem>> -> memref<1x128xi32, #tpu.memory_space<vmem>>
      %dma_start3A_62 = tpu.memref_squeeze %dma_start3A_61 : memref<1x128xi32, #tpu.memory_space<vmem>> -> memref<128xi32, #tpu.memory_space<vmem>>
      %dma_start3A_63 = arith.constant 0 : i32
      %dma_start3A_64 = arith.constant 0 : i32
      %dma_start3A_65 = tpu.memref_slice %arg2[%arg0, %dma_start3A_63, %dma_start3A_64] : memref<2x10240x128xbf16, #tpu.memory_space<hbm>> -> memref<1x10240x128xbf16, #tpu.memory_space<hbm>>
      %dma_start3A_66 = tpu.memref_squeeze %dma_start3A_65 : memref<1x10240x128xbf16, #tpu.memory_space<hbm>> -> memref<10240x128xbf16, #tpu.memory_space<hbm>>
      %dma_start3A_67 = arith.constant 0 : i32
      %dma_start3A_68 = arith.constant 0 : i32
      %dma_start3A_69 = tpu.memref_slice %dma_start3A_66[%dma_start3A_67, %dma_start3A_68] : memref<10240x128xbf16, #tpu.memory_space<hbm>> -> memref<10240x128xbf16, #tpu.memory_space<hbm>>
      tpu.enqueue_indirect_dma source(%dma_start3A_69 : memref<10240x128xbf16, #tpu.memory_space<hbm>>) target(%arg8 : memref<128x128xbf16, #tpu.memory_space<vmem>>) offsets(%dma_start3A_62 : memref<128xi32, #tpu.memory_space<vmem>>) semaphore(%arg11 : memref<!tpu.dma_semaphore, #tpu.memory_space<semaphore_mem>>)
      %dma_wait3A_70 = arith.constant 0 : i32
      %dma_wait3A_71 = tpu.memref_slice %arg6[%add3A_36, %dma_wait3A_70] : memref<158x128xi32, #tpu.memory_space<vmem>> -> memref<1x128xi32, #tpu.memory_space<vmem>>
      %dma_wait3A_72 = tpu.memref_squeeze %dma_wait3A_71 : memref<1x128xi32, #tpu.memory_space<vmem>> -> memref<128xi32, #tpu.memory_space<vmem>>
      %dma_wait3A_73 = arith.constant 0 : i32
      %dma_wait3A_74 = arith.constant 0 : i32
      %dma_wait3A_75 = tpu.memref_slice %arg2[%arg0, %dma_wait3A_73, %dma_wait3A_74] : memref<2x10240x128xbf16, #tpu.memory_space<hbm>> -> memref<1x10240x128xbf16, #tpu.memory_space<hbm>>
      %dma_wait3A_76 = tpu.memref_squeeze %dma_wait3A_75 : memref<1x10240x128xbf16, #tpu.memory_space<hbm>> -> memref<10240x128xbf16, #tpu.memory_space<hbm>>
      %dma_wait3A_77 = arith.constant 0 : i32
      %dma_wait3A_78 = arith.constant 0 : i32
      %dma_wait3A_79 = tpu.memref_slice %dma_wait3A_76[%dma_wait3A_77, %dma_wait3A_78] : memref<10240x128xbf16, #tpu.memory_space<hbm>> -> memref<10240x128xbf16, #tpu.memory_space<hbm>>
      tpu.wait_indirect_dma semaphore(%arg12 : memref<!tpu.dma_semaphore, #tpu.memory_space<semaphore_mem>>) src(%dma_wait3A_79 : memref<10240x128xbf16, #tpu.memory_space<hbm>>) dst(%arg9 : memref<128x128xbf16, #tpu.memory_space<vmem>>)
      "tpu.region"() ({
        %run_scoped3A = tpu.sem_alloc : memref<!tpu.dma_semaphore, #tpu.memory_space<semaphore_mem>>
        %dma_start3A_80 = arith.constant 0 : i32
        %dma_start3A_81 = tpu.memref_slice %arg7[%add3A_36, %dma_start3A_80] : memref<158x128xi32, #tpu.memory_space<vmem>> -> memref<1x128xi32, #tpu.memory_space<vmem>>
        %dma_start3A_82 = tpu.memref_squeeze %dma_start3A_81 : memref<1x128xi32, #tpu.memory_space<vmem>> -> memref<128xi32, #tpu.memory_space<vmem>>
        %dma_start3A_83 = arith.constant 0 : i32
        %dma_start3A_84 = arith.constant 0 : i32
        %dma_start3A_85 = tpu.memref_slice %arg10[%dma_start3A_83, %dma_start3A_84] : memref<10240x128xbf16, #tpu.memory_space<vmem_shared>> -> memref<10240x128xbf16, #tpu.memory_space<vmem_shared>>
        tpu.enqueue_indirect_dma source(%arg9 : memref<128x128xbf16, #tpu.memory_space<vmem>>) target(%dma_start3A_85 : memref<10240x128xbf16, #tpu.memory_space<vmem_shared>>) offsets(%dma_start3A_82 : memref<128xi32, #tpu.memory_space<vmem>>) semaphore(%run_scoped3A : memref<!tpu.dma_semaphore, #tpu.memory_space<semaphore_mem>>) {add = true}
        %dma_wait3A_86 = arith.constant 0 : i32
        %dma_wait3A_87 = tpu.memref_slice %arg7[%add3A_36, %dma_wait3A_86] : memref<158x128xi32, #tpu.memory_space<vmem>> -> memref<1x128xi32, #tpu.memory_space<vmem>>
        %dma_wait3A_88 = tpu.memref_squeeze %dma_wait3A_87 : memref<1x128xi32, #tpu.memory_space<vmem>> -> memref<128xi32, #tpu.memory_space<vmem>>
        %dma_wait3A_89 = arith.constant 0 : i32
        %dma_wait3A_90 = arith.constant 0 : i32
        %dma_wait3A_91 = tpu.memref_slice %arg10[%dma_wait3A_89, %dma_wait3A_90] : memref<10240x128xbf16, #tpu.memory_space<vmem_shared>> -> memref<10240x128xbf16, #tpu.memory_space<vmem_shared>>
        tpu.wait_indirect_dma semaphore(%run_scoped3A : memref<!tpu.dma_semaphore, #tpu.memory_space<semaphore_mem>>) src(%arg9 : memref<128x128xbf16, #tpu.memory_space<vmem>>) dst(%dma_wait3A_91 : memref<10240x128xbf16, #tpu.memory_space<vmem_shared>>)
        tpu.yield
      }) : () -> ()
    }
    %scan3A_17 = arith.constant 79 : i32
    %dma_wait3A = arith.constant 0 : i32
    %dma_wait3A_18 = arith.constant 0 : i32
    %dma_wait3A_19 = tpu.memref_slice %arg6[%dma_wait3A, %dma_wait3A_18] : memref<158x128xi32, #tpu.memory_space<vmem>> -> memref<1x128xi32, #tpu.memory_space<vmem>>
    %dma_wait3A_20 = tpu.memref_squeeze %dma_wait3A_19 : memref<1x128xi32, #tpu.memory_space<vmem>> -> memref<128xi32, #tpu.memory_space<vmem>>
    %dma_wait3A_21 = arith.constant 0 : i32
    %dma_wait3A_22 = arith.constant 0 : i32
    %dma_wait3A_23 = tpu.memref_slice %arg2[%arg0, %dma_wait3A_21, %dma_wait3A_22] : memref<2x10240x128xbf16, #tpu.memory_space<hbm>> -> memref<1x10240x128xbf16, #tpu.memory_space<hbm>>
    %dma_wait3A_24 = tpu.memref_squeeze %dma_wait3A_23 : memref<1x10240x128xbf16, #tpu.memory_space<hbm>> -> memref<10240x128xbf16, #tpu.memory_space<hbm>>
    %dma_wait3A_25 = arith.constant 0 : i32
    %dma_wait3A_26 = arith.constant 0 : i32
    %dma_wait3A_27 = tpu.memref_slice %dma_wait3A_24[%dma_wait3A_25, %dma_wait3A_26] : memref<10240x128xbf16, #tpu.memory_space<hbm>> -> memref<10240x128xbf16, #tpu.memory_space<hbm>>
    tpu.wait_indirect_dma semaphore(%arg11 : memref<!tpu.dma_semaphore, #tpu.memory_space<semaphore_mem>>) src(%dma_wait3A_27 : memref<10240x128xbf16, #tpu.memory_space<hbm>>) dst(%arg8 : memref<128x128xbf16, #tpu.memory_space<vmem>>)
    %barrier3A_28 = arith.constant 0 : index
    tpu.barrier barrier_id(%barrier3A_28)
    %mul3A_29 = arith.constant 640 : i32
    %mul3A_30 = arith.muli %arg1, %mul3A_29 : i32
    %mul3A_31 = arith.constant 640 : i32
    %mul3A_32 = arith.muli %arg1, %mul3A_31 : i32
    "tpu.region"() ({
      %run_scoped3A = tpu.sem_alloc : memref<!tpu.dma_semaphore, #tpu.memory_space<semaphore_mem>>
      %dma_start3A_33 = arith.constant 0 : i32
      %dma_start3A_34 = tpu.memref_slice %arg5[%arg0, %mul3A_32, %dma_start3A_33] : memref<2x10240x128xbf16, #tpu.memory_space<hbm>> -> memref<1x640x128xbf16, #tpu.memory_space<hbm>>
      %dma_start3A_35 = tpu.memref_squeeze %dma_start3A_34 : memref<1x640x128xbf16, #tpu.memory_space<hbm>> -> memref<640x128xbf16, #tpu.memory_space<hbm>>
      %dma_start3A_36 = arith.constant 0 : i32
      %dma_start3A_37 = tpu.memref_slice %arg10[%mul3A_30, %dma_start3A_36] : memref<10240x128xbf16, #tpu.memory_space<vmem_shared>> -> memref<640x128xbf16, #tpu.memory_space<vmem_shared>>
      tpu.enqueue_dma source(%dma_start3A_37 : memref<640x128xbf16, #tpu.memory_space<vmem_shared>>) target(%dma_start3A_35 : memref<640x128xbf16, #tpu.memory_space<hbm>>) target_semaphore(%run_scoped3A : memref<!tpu.dma_semaphore, #tpu.memory_space<semaphore_mem>>)
      %dma_wait3A_38 = arith.constant 0 : i32
      %dma_wait3A_39 = tpu.memref_slice %arg5[%arg0, %mul3A_32, %dma_wait3A_38] : memref<2x10240x128xbf16, #tpu.memory_space<hbm>> -> memref<1x640x128xbf16, #tpu.memory_space<hbm>>
      %dma_wait3A_40 = tpu.memref_squeeze %dma_wait3A_39 : memref<1x640x128xbf16, #tpu.memory_space<hbm>> -> memref<640x128xbf16, #tpu.memory_space<hbm>>
      %dma_wait3A_41 = arith.constant 0 : i32
      %dma_wait3A_42 = tpu.memref_slice %arg10[%mul3A_30, %dma_wait3A_41] : memref<10240x128xbf16, #tpu.memory_space<vmem_shared>> -> memref<640x128xbf16, #tpu.memory_space<vmem_shared>>
      tpu.wait_dma2 semaphore(%run_scoped3A : memref<!tpu.dma_semaphore, #tpu.memory_space<semaphore_mem>>) src(%dma_wait3A_42 : memref<640x128xbf16, #tpu.memory_space<vmem_shared>>) dst(%dma_wait3A_40 : memref<640x128xbf16, #tpu.memory_space<hbm>>)
      tpu.yield
    }) : () -> ()
    return
  }
}

#map = affine_map<(d0, d1) -> (0, 0, 0)>
module attributes {stable_mosaic.version = 14 : i64} {
  func.func @_agg_body(%arg0: i32, %arg1: i32, %arg2: memref<2x10240x128xbf16, #tpu.memory_space<hbm>>, %arg3: memref<16x158x128xi32, #tpu.memory_space<hbm>>, %arg4: memref<16x158x128xi32, #tpu.memory_space<hbm>>, %arg5: memref<2x10240x128xbf16, #tpu.memory_space<hbm>>, %arg6: memref<158x128xi32, #tpu.memory_space<vmem>>, %arg7: memref<158x128xi32, #tpu.memory_space<vmem>>, %arg8: memref<128x128xbf16, #tpu.memory_space<vmem>>, %arg9: memref<128x128xbf16, #tpu.memory_space<vmem>>, %arg10: memref<10240x128xbf16, #tpu.memory_space<vmem_shared>>, %arg11: memref<!tpu.dma_semaphore, #tpu.memory_space<semaphore_mem>>, %arg12: memref<!tpu.dma_semaphore, #tpu.memory_space<semaphore_mem>>) attributes {dimension_semantics = [#tpu.dimension_semantics<core_parallel>, #tpu.dimension_semantics<subcore_parallel>], iteration_bounds = array<i64: 2, 16>, scalar_prefetch = 0 : i64, scratch_operands = 7 : i64, tpu.core_type = #tpu.core_type<sc_vector_subcore>, window_params = [{transform_indices = #map}, {transform_indices = #map}, {transform_indices = #map}, {transform_indices = #map}]} {
    "tpu.region"() ({
      %run_scoped3A = tpu.sem_alloc : memref<!tpu.dma_semaphore, #tpu.memory_space<semaphore_mem>>
      %dma_start3A_33 = arith.constant 0 : i32
      %dma_start3A_34 = arith.constant 0 : i32
      %dma_start3A_35 = tpu.memref_slice %arg3[%arg1, %dma_start3A_33, %dma_start3A_34] : memref<16x158x128xi32, #tpu.memory_space<hbm>> -> memref<1x158x128xi32, #tpu.memory_space<hbm>>
      %dma_start3A_36 = tpu.memref_squeeze %dma_start3A_35 : memref<1x158x128xi32, #tpu.memory_space<hbm>> -> memref<158x128xi32, #tpu.memory_space<hbm>>
      %dma_start3A_37 = arith.constant 0 : i32
      %dma_start3A_38 = arith.constant 0 : i32
      %dma_start3A_39 = tpu.memref_slice %arg3[%arg1, %dma_start3A_37, %dma_start3A_38] : memref<16x158x128xi32, #tpu.memory_space<hbm>> -> memref<1x158x128xi32, #tpu.memory_space<hbm>>
      %dma_start3A_40 = tpu.memref_squeeze %dma_start3A_39 : memref<1x158x128xi32, #tpu.memory_space<hbm>> -> memref<158x128xi32, #tpu.memory_space<hbm>>
      tpu.enqueue_dma source(%dma_start3A_40 : memref<158x128xi32, #tpu.memory_space<hbm>>) target(%arg6 : memref<158x128xi32, #tpu.memory_space<vmem>>) target_semaphore(%run_scoped3A : memref<!tpu.dma_semaphore, #tpu.memory_space<semaphore_mem>>)
      %dma_wait3A_41 = arith.constant 0 : i32
      %dma_wait3A_42 = arith.constant 0 : i32
      %dma_wait3A_43 = tpu.memref_slice %arg3[%arg1, %dma_wait3A_41, %dma_wait3A_42] : memref<16x158x128xi32, #tpu.memory_space<hbm>> -> memref<1x158x128xi32, #tpu.memory_space<hbm>>
      %dma_wait3A_44 = tpu.memref_squeeze %dma_wait3A_43 : memref<1x158x128xi32, #tpu.memory_space<hbm>> -> memref<158x128xi32, #tpu.memory_space<hbm>>
      %dma_wait3A_45 = arith.constant 0 : i32
      %dma_wait3A_46 = arith.constant 0 : i32
      %dma_wait3A_47 = tpu.memref_slice %arg3[%arg1, %dma_wait3A_45, %dma_wait3A_46] : memref<16x158x128xi32, #tpu.memory_space<hbm>> -> memref<1x158x128xi32, #tpu.memory_space<hbm>>
      %dma_wait3A_48 = tpu.memref_squeeze %dma_wait3A_47 : memref<1x158x128xi32, #tpu.memory_space<hbm>> -> memref<158x128xi32, #tpu.memory_space<hbm>>
      tpu.wait_dma2 semaphore(%run_scoped3A : memref<!tpu.dma_semaphore, #tpu.memory_space<semaphore_mem>>) src(%dma_wait3A_48 : memref<158x128xi32, #tpu.memory_space<hbm>>) dst(%arg6 : memref<158x128xi32, #tpu.memory_space<vmem>>)
      tpu.yield
    }) : () -> ()
    "tpu.region"() ({
      %run_scoped3A = tpu.sem_alloc : memref<!tpu.dma_semaphore, #tpu.memory_space<semaphore_mem>>
      %dma_start3A_33 = arith.constant 0 : i32
      %dma_start3A_34 = arith.constant 0 : i32
      %dma_start3A_35 = tpu.memref_slice %arg4[%arg1, %dma_start3A_33, %dma_start3A_34] : memref<16x158x128xi32, #tpu.memory_space<hbm>> -> memref<1x158x128xi32, #tpu.memory_space<hbm>>
      %dma_start3A_36 = tpu.memref_squeeze %dma_start3A_35 : memref<1x158x128xi32, #tpu.memory_space<hbm>> -> memref<158x128xi32, #tpu.memory_space<hbm>>
      %dma_start3A_37 = arith.constant 0 : i32
      %dma_start3A_38 = arith.constant 0 : i32
      %dma_start3A_39 = tpu.memref_slice %arg4[%arg1, %dma_start3A_37, %dma_start3A_38] : memref<16x158x128xi32, #tpu.memory_space<hbm>> -> memref<1x158x128xi32, #tpu.memory_space<hbm>>
      %dma_start3A_40 = tpu.memref_squeeze %dma_start3A_39 : memref<1x158x128xi32, #tpu.memory_space<hbm>> -> memref<158x128xi32, #tpu.memory_space<hbm>>
      tpu.enqueue_dma source(%dma_start3A_40 : memref<158x128xi32, #tpu.memory_space<hbm>>) target(%arg7 : memref<158x128xi32, #tpu.memory_space<vmem>>) target_semaphore(%run_scoped3A : memref<!tpu.dma_semaphore, #tpu.memory_space<semaphore_mem>>)
      %dma_wait3A_41 = arith.constant 0 : i32
      %dma_wait3A_42 = arith.constant 0 : i32
      %dma_wait3A_43 = tpu.memref_slice %arg4[%arg1, %dma_wait3A_41, %dma_wait3A_42] : memref<16x158x128xi32, #tpu.memory_space<hbm>> -> memref<1x158x128xi32, #tpu.memory_space<hbm>>
      %dma_wait3A_44 = tpu.memref_squeeze %dma_wait3A_43 : memref<1x158x128xi32, #tpu.memory_space<hbm>> -> memref<158x128xi32, #tpu.memory_space<hbm>>
      %dma_wait3A_45 = arith.constant 0 : i32
      %dma_wait3A_46 = arith.constant 0 : i32
      %dma_wait3A_47 = tpu.memref_slice %arg4[%arg1, %dma_wait3A_45, %dma_wait3A_46] : memref<16x158x128xi32, #tpu.memory_space<hbm>> -> memref<1x158x128xi32, #tpu.memory_space<hbm>>
      %dma_wait3A_48 = tpu.memref_squeeze %dma_wait3A_47 : memref<1x158x128xi32, #tpu.memory_space<hbm>> -> memref<158x128xi32, #tpu.memory_space<hbm>>
      tpu.wait_dma2 semaphore(%run_scoped3A : memref<!tpu.dma_semaphore, #tpu.memory_space<semaphore_mem>>) src(%dma_wait3A_48 : memref<158x128xi32, #tpu.memory_space<hbm>>) dst(%arg7 : memref<158x128xi32, #tpu.memory_space<vmem>>)
      tpu.yield
    }) : () -> ()
    %mul3A = arith.constant 640 : i32
    %mul3A_0 = arith.muli %arg1, %mul3A : i32
    %mul3A_1 = arith.constant 640 : i32
    %mul3A_2 = arith.muli %arg1, %mul3A_1 : i32
    "tpu.region"() ({
      %run_scoped3A = tpu.sem_alloc : memref<!tpu.dma_semaphore, #tpu.memory_space<semaphore_mem>>
      %dma_start3A_33 = arith.constant 0 : i32
      %dma_start3A_34 = tpu.memref_slice %arg10[%mul3A_2, %dma_start3A_33] : memref<10240x128xbf16, #tpu.memory_space<vmem_shared>> -> memref<640x128xbf16, #tpu.memory_space<vmem_shared>>
      %dma_start3A_35 = arith.constant 0 : i32
      %dma_start3A_36 = tpu.memref_slice %arg2[%arg0, %mul3A_0, %dma_start3A_35] : memref<2x10240x128xbf16, #tpu.memory_space<hbm>> -> memref<1x640x128xbf16, #tpu.memory_space<hbm>>
      %dma_start3A_37 = tpu.memref_squeeze %dma_start3A_36 : memref<1x640x128xbf16, #tpu.memory_space<hbm>> -> memref<640x128xbf16, #tpu.memory_space<hbm>>
      tpu.enqueue_dma source(%dma_start3A_37 : memref<640x128xbf16, #tpu.memory_space<hbm>>) target(%dma_start3A_34 : memref<640x128xbf16, #tpu.memory_space<vmem_shared>>) target_semaphore(%run_scoped3A : memref<!tpu.dma_semaphore, #tpu.memory_space<semaphore_mem>>)
      %dma_wait3A_38 = arith.constant 0 : i32
      %dma_wait3A_39 = tpu.memref_slice %arg10[%mul3A_2, %dma_wait3A_38] : memref<10240x128xbf16, #tpu.memory_space<vmem_shared>> -> memref<640x128xbf16, #tpu.memory_space<vmem_shared>>
      %dma_wait3A_40 = arith.constant 0 : i32
      %dma_wait3A_41 = tpu.memref_slice %arg2[%arg0, %mul3A_0, %dma_wait3A_40] : memref<2x10240x128xbf16, #tpu.memory_space<hbm>> -> memref<1x640x128xbf16, #tpu.memory_space<hbm>>
      %dma_wait3A_42 = tpu.memref_squeeze %dma_wait3A_41 : memref<1x640x128xbf16, #tpu.memory_space<hbm>> -> memref<640x128xbf16, #tpu.memory_space<hbm>>
      tpu.wait_dma2 semaphore(%run_scoped3A : memref<!tpu.dma_semaphore, #tpu.memory_space<semaphore_mem>>) src(%dma_wait3A_42 : memref<640x128xbf16, #tpu.memory_space<hbm>>) dst(%dma_wait3A_39 : memref<640x128xbf16, #tpu.memory_space<vmem_shared>>)
      tpu.yield
    }) : () -> ()
    %barrier3A = arith.constant 0 : index
    tpu.barrier barrier_id(%barrier3A)
    %dma_start3A = arith.constant 0 : i32
    %dma_start3A_3 = arith.constant 0 : i32
    %dma_start3A_4 = tpu.memref_slice %arg6[%dma_start3A, %dma_start3A_3] : memref<158x128xi32, #tpu.memory_space<vmem>> -> memref<1x128xi32, #tpu.memory_space<vmem>>
    %dma_start3A_5 = tpu.memref_squeeze %dma_start3A_4 : memref<1x128xi32, #tpu.memory_space<vmem>> -> memref<128xi32, #tpu.memory_space<vmem>>
    %dma_start3A_6 = arith.constant 0 : i32
    %dma_start3A_7 = arith.constant 0 : i32
    %dma_start3A_8 = tpu.memref_slice %arg2[%arg0, %dma_start3A_6, %dma_start3A_7] : memref<2x10240x128xbf16, #tpu.memory_space<hbm>> -> memref<1x10240x128xbf16, #tpu.memory_space<hbm>>
    %dma_start3A_9 = tpu.memref_squeeze %dma_start3A_8 : memref<1x10240x128xbf16, #tpu.memory_space<hbm>> -> memref<10240x128xbf16, #tpu.memory_space<hbm>>
    %dma_start3A_10 = arith.constant 0 : i32
    %dma_start3A_11 = arith.constant 0 : i32
    %dma_start3A_12 = tpu.memref_slice %dma_start3A_9[%dma_start3A_10, %dma_start3A_11] : memref<10240x128xbf16, #tpu.memory_space<hbm>> -> memref<10240x128xbf16, #tpu.memory_space<hbm>>
    tpu.enqueue_indirect_dma source(%dma_start3A_12 : memref<10240x128xbf16, #tpu.memory_space<hbm>>) target(%arg8 : memref<128x128xbf16, #tpu.memory_space<vmem>>) offsets(%dma_start3A_5 : memref<128xi32, #tpu.memory_space<vmem>>) semaphore(%arg11 : memref<!tpu.dma_semaphore, #tpu.memory_space<semaphore_mem>>)
    %scan3A = arith.constant 0 : i32
    %scan3A_13 = arith.constant 0 : i32
    %scan3A_14 = arith.constant 79 : i32
    %scan3A_15 = arith.addi %scan3A_13, %scan3A_14 : i32
    %scan3A_16 = arith.constant 1 : i32
    scf.for %scan3A_33 = %scan3A_13 to %scan3A_15 step %scan3A_16  : i32 {
      %mul3A_34 = arith.constant 2 : i32
      %mul3A_35 = arith.muli %mul3A_34, %scan3A_33 : i32
      %add3A = arith.constant 1 : i32
      %add3A_36 = arith.addi %mul3A_35, %add3A : i32
      %dma_start3A_37 = arith.constant 0 : i32
      %dma_start3A_38 = tpu.memref_slice %arg6[%add3A_36, %dma_start3A_37] : memref<158x128xi32, #tpu.memory_space<vmem>> -> memref<1x128xi32, #tpu.memory_space<vmem>>
      %dma_start3A_39 = tpu.memref_squeeze %dma_start3A_38 : memref<1x128xi32, #tpu.memory_space<vmem>> -> memref<128xi32, #tpu.memory_space<vmem>>
      %dma_start3A_40 = arith.constant 0 : i32
      %dma_start3A_41 = arith.constant 0 : i32
      %dma_start3A_42 = tpu.memref_slice %arg2[%arg0, %dma_start3A_40, %dma_start3A_41] : memref<2x10240x128xbf16, #tpu.memory_space<hbm>> -> memref<1x10240x128xbf16, #tpu.memory_space<hbm>>
      %dma_start3A_43 = tpu.memref_squeeze %dma_start3A_42 : memref<1x10240x128xbf16, #tpu.memory_space<hbm>> -> memref<10240x128xbf16, #tpu.memory_space<hbm>>
      %dma_start3A_44 = arith.constant 0 : i32
      %dma_start3A_45 = arith.constant 0 : i32
      %dma_start3A_46 = tpu.memref_slice %dma_start3A_43[%dma_start3A_44, %dma_start3A_45] : memref<10240x128xbf16, #tpu.memory_space<hbm>> -> memref<10240x128xbf16, #tpu.memory_space<hbm>>
      tpu.enqueue_indirect_dma source(%dma_start3A_46 : memref<10240x128xbf16, #tpu.memory_space<hbm>>) target(%arg9 : memref<128x128xbf16, #tpu.memory_space<vmem>>) offsets(%dma_start3A_39 : memref<128xi32, #tpu.memory_space<vmem>>) semaphore(%arg12 : memref<!tpu.dma_semaphore, #tpu.memory_space<semaphore_mem>>)
      %dma_wait3A_47 = arith.constant 0 : i32
      %dma_wait3A_48 = tpu.memref_slice %arg6[%mul3A_35, %dma_wait3A_47] : memref<158x128xi32, #tpu.memory_space<vmem>> -> memref<1x128xi32, #tpu.memory_space<vmem>>
      %dma_wait3A_49 = tpu.memref_squeeze %dma_wait3A_48 : memref<1x128xi32, #tpu.memory_space<vmem>> -> memref<128xi32, #tpu.memory_space<vmem>>
      %dma_wait3A_50 = arith.constant 0 : i32
      %dma_wait3A_51 = arith.constant 0 : i32
      %dma_wait3A_52 = tpu.memref_slice %arg2[%arg0, %dma_wait3A_50, %dma_wait3A_51] : memref<2x10240x128xbf16, #tpu.memory_space<hbm>> -> memref<1x10240x128xbf16, #tpu.memory_space<hbm>>
      %dma_wait3A_53 = tpu.memref_squeeze %dma_wait3A_52 : memref<1x10240x128xbf16, #tpu.memory_space<hbm>> -> memref<10240x128xbf16, #tpu.memory_space<hbm>>
      %dma_wait3A_54 = arith.constant 0 : i32
      %dma_wait3A_55 = arith.constant 0 : i32
      %dma_wait3A_56 = tpu.memref_slice %dma_wait3A_53[%dma_wait3A_54, %dma_wait3A_55] : memref<10240x128xbf16, #tpu.memory_space<hbm>> -> memref<10240x128xbf16, #tpu.memory_space<hbm>>
      tpu.wait_indirect_dma semaphore(%arg11 : memref<!tpu.dma_semaphore, #tpu.memory_space<semaphore_mem>>) src(%dma_wait3A_56 : memref<10240x128xbf16, #tpu.memory_space<hbm>>) dst(%arg8 : memref<128x128xbf16, #tpu.memory_space<vmem>>)
      "tpu.region"() ({
        %run_scoped3A = tpu.sem_alloc : memref<!tpu.dma_semaphore, #tpu.memory_space<semaphore_mem>>
        %dma_start3A_80 = arith.constant 0 : i32
        %dma_start3A_81 = tpu.memref_slice %arg7[%mul3A_35, %dma_start3A_80] : memref<158x128xi32, #tpu.memory_space<vmem>> -> memref<1x128xi32, #tpu.memory_space<vmem>>
        %dma_start3A_82 = tpu.memref_squeeze %dma_start3A_81 : memref<1x128xi32, #tpu.memory_space<vmem>> -> memref<128xi32, #tpu.memory_space<vmem>>
        %dma_start3A_83 = arith.constant 0 : i32
        %dma_start3A_84 = arith.constant 0 : i32
        %dma_start3A_85 = tpu.memref_slice %arg10[%dma_start3A_83, %dma_start3A_84] : memref<10240x128xbf16, #tpu.memory_space<vmem_shared>> -> memref<10240x128xbf16, #tpu.memory_space<vmem_shared>>
        tpu.enqueue_indirect_dma source(%arg8 : memref<128x128xbf16, #tpu.memory_space<vmem>>) target(%dma_start3A_85 : memref<10240x128xbf16, #tpu.memory_space<vmem_shared>>) offsets(%dma_start3A_82 : memref<128xi32, #tpu.memory_space<vmem>>) semaphore(%run_scoped3A : memref<!tpu.dma_semaphore, #tpu.memory_space<semaphore_mem>>) {add = true}
        %dma_wait3A_86 = arith.constant 0 : i32
        %dma_wait3A_87 = tpu.memref_slice %arg7[%mul3A_35, %dma_wait3A_86] : memref<158x128xi32, #tpu.memory_space<vmem>> -> memref<1x128xi32, #tpu.memory_space<vmem>>
        %dma_wait3A_88 = tpu.memref_squeeze %dma_wait3A_87 : memref<1x128xi32, #tpu.memory_space<vmem>> -> memref<128xi32, #tpu.memory_space<vmem>>
        %dma_wait3A_89 = arith.constant 0 : i32
        %dma_wait3A_90 = arith.constant 0 : i32
        %dma_wait3A_91 = tpu.memref_slice %arg10[%dma_wait3A_89, %dma_wait3A_90] : memref<10240x128xbf16, #tpu.memory_space<vmem_shared>> -> memref<10240x128xbf16, #tpu.memory_space<vmem_shared>>
        tpu.wait_indirect_dma semaphore(%run_scoped3A : memref<!tpu.dma_semaphore, #tpu.memory_space<semaphore_mem>>) src(%arg8 : memref<128x128xbf16, #tpu.memory_space<vmem>>) dst(%dma_wait3A_91 : memref<10240x128xbf16, #tpu.memory_space<vmem_shared>>)
        tpu.yield
      }) : () -> ()
      %lt3A = arith.constant 78 : i32
      %lt3A_57 = arith.cmpi slt, %scan3A_33, %lt3A : i32
      %add3A_58 = arith.constant 2 : i32
      %add3A_59 = arith.addi %mul3A_35, %add3A_58 : i32
      %jit3A = arith.constant 0 : i32
      %select_n3A = arith.select %lt3A_57, %add3A_59, %jit3A : i32
      %dma_start3A_60 = arith.constant 0 : i32
      %dma_start3A_61 = tpu.memref_slice %arg6[%select_n3A, %dma_start3A_60] : memref<158x128xi32, #tpu.memory_space<vmem>> -> memref<1x128xi32, #tpu.memory_space<vmem>>
      %dma_start3A_62 = tpu.memref_squeeze %dma_start3A_61 : memref<1x128xi32, #tpu.memory_space<vmem>> -> memref<128xi32, #tpu.memory_space<vmem>>
      %dma_start3A_63 = arith.constant 0 : i32
      %dma_start3A_64 = arith.constant 0 : i32
      %dma_start3A_65 = tpu.memref_slice %arg2[%arg0, %dma_start3A_63, %dma_start3A_64] : memref<2x10240x128xbf16, #tpu.memory_space<hbm>> -> memref<1x10240x128xbf16, #tpu.memory_space<hbm>>
      %dma_start3A_66 = tpu.memref_squeeze %dma_start3A_65 : memref<1x10240x128xbf16, #tpu.memory_space<hbm>> -> memref<10240x128xbf16, #tpu.memory_space<hbm>>
      %dma_start3A_67 = arith.constant 0 : i32
      %dma_start3A_68 = arith.constant 0 : i32
      %dma_start3A_69 = tpu.memref_slice %dma_start3A_66[%dma_start3A_67, %dma_start3A_68] : memref<10240x128xbf16, #tpu.memory_space<hbm>> -> memref<10240x128xbf16, #tpu.memory_space<hbm>>
      tpu.enqueue_indirect_dma source(%dma_start3A_69 : memref<10240x128xbf16, #tpu.memory_space<hbm>>) target(%arg8 : memref<128x128xbf16, #tpu.memory_space<vmem>>) offsets(%dma_start3A_62 : memref<128xi32, #tpu.memory_space<vmem>>) semaphore(%arg11 : memref<!tpu.dma_semaphore, #tpu.memory_space<semaphore_mem>>)
      %dma_wait3A_70 = arith.constant 0 : i32
      %dma_wait3A_71 = tpu.memref_slice %arg6[%add3A_36, %dma_wait3A_70] : memref<158x128xi32, #tpu.memory_space<vmem>> -> memref<1x128xi32, #tpu.memory_space<vmem>>
      %dma_wait3A_72 = tpu.memref_squeeze %dma_wait3A_71 : memref<1x128xi32, #tpu.memory_space<vmem>> -> memref<128xi32, #tpu.memory_space<vmem>>
      %dma_wait3A_73 = arith.constant 0 : i32
      %dma_wait3A_74 = arith.constant 0 : i32
      %dma_wait3A_75 = tpu.memref_slice %arg2[%arg0, %dma_wait3A_73, %dma_wait3A_74] : memref<2x10240x128xbf16, #tpu.memory_space<hbm>> -> memref<1x10240x128xbf16, #tpu.memory_space<hbm>>
      %dma_wait3A_76 = tpu.memref_squeeze %dma_wait3A_75 : memref<1x10240x128xbf16, #tpu.memory_space<hbm>> -> memref<10240x128xbf16, #tpu.memory_space<hbm>>
      %dma_wait3A_77 = arith.constant 0 : i32
      %dma_wait3A_78 = arith.constant 0 : i32
      %dma_wait3A_79 = tpu.memref_slice %dma_wait3A_76[%dma_wait3A_77, %dma_wait3A_78] : memref<10240x128xbf16, #tpu.memory_space<hbm>> -> memref<10240x128xbf16, #tpu.memory_space<hbm>>
      tpu.wait_indirect_dma semaphore(%arg12 : memref<!tpu.dma_semaphore, #tpu.memory_space<semaphore_mem>>) src(%dma_wait3A_79 : memref<10240x128xbf16, #tpu.memory_space<hbm>>) dst(%arg9 : memref<128x128xbf16, #tpu.memory_space<vmem>>)
      "tpu.region"() ({
        %run_scoped3A = tpu.sem_alloc : memref<!tpu.dma_semaphore, #tpu.memory_space<semaphore_mem>>
        %dma_start3A_80 = arith.constant 0 : i32
        %dma_start3A_81 = tpu.memref_slice %arg7[%add3A_36, %dma_start3A_80] : memref<158x128xi32, #tpu.memory_space<vmem>> -> memref<1x128xi32, #tpu.memory_space<vmem>>
        %dma_start3A_82 = tpu.memref_squeeze %dma_start3A_81 : memref<1x128xi32, #tpu.memory_space<vmem>> -> memref<128xi32, #tpu.memory_space<vmem>>
        %dma_start3A_83 = arith.constant 0 : i32
        %dma_start3A_84 = arith.constant 0 : i32
        %dma_start3A_85 = tpu.memref_slice %arg10[%dma_start3A_83, %dma_start3A_84] : memref<10240x128xbf16, #tpu.memory_space<vmem_shared>> -> memref<10240x128xbf16, #tpu.memory_space<vmem_shared>>
        tpu.enqueue_indirect_dma source(%arg9 : memref<128x128xbf16, #tpu.memory_space<vmem>>) target(%dma_start3A_85 : memref<10240x128xbf16, #tpu.memory_space<vmem_shared>>) offsets(%dma_start3A_82 : memref<128xi32, #tpu.memory_space<vmem>>) semaphore(%run_scoped3A : memref<!tpu.dma_semaphore, #tpu.memory_space<semaphore_mem>>) {add = true}
        %dma_wait3A_86 = arith.constant 0 : i32
        %dma_wait3A_87 = tpu.memref_slice %arg7[%add3A_36, %dma_wait3A_86] : memref<158x128xi32, #tpu.memory_space<vmem>> -> memref<1x128xi32, #tpu.memory_space<vmem>>
        %dma_wait3A_88 = tpu.memref_squeeze %dma_wait3A_87 : memref<1x128xi32, #tpu.memory_space<vmem>> -> memref<128xi32, #tpu.memory_space<vmem>>
        %dma_wait3A_89 = arith.constant 0 : i32
        %dma_wait3A_90 = arith.constant 0 : i32
        %dma_wait3A_91 = tpu.memref_slice %arg10[%dma_wait3A_89, %dma_wait3A_90] : memref<10240x128xbf16, #tpu.memory_space<vmem_shared>> -> memref<10240x128xbf16, #tpu.memory_space<vmem_shared>>
        tpu.wait_indirect_dma semaphore(%run_scoped3A : memref<!tpu.dma_semaphore, #tpu.memory_space<semaphore_mem>>) src(%arg9 : memref<128x128xbf16, #tpu.memory_space<vmem>>) dst(%dma_wait3A_91 : memref<10240x128xbf16, #tpu.memory_space<vmem_shared>>)
        tpu.yield
      }) : () -> ()
    }
    %scan3A_17 = arith.constant 79 : i32
    %dma_wait3A = arith.constant 0 : i32
    %dma_wait3A_18 = arith.constant 0 : i32
    %dma_wait3A_19 = tpu.memref_slice %arg6[%dma_wait3A, %dma_wait3A_18] : memref<158x128xi32, #tpu.memory_space<vmem>> -> memref<1x128xi32, #tpu.memory_space<vmem>>
    %dma_wait3A_20 = tpu.memref_squeeze %dma_wait3A_19 : memref<1x128xi32, #tpu.memory_space<vmem>> -> memref<128xi32, #tpu.memory_space<vmem>>
    %dma_wait3A_21 = arith.constant 0 : i32
    %dma_wait3A_22 = arith.constant 0 : i32
    %dma_wait3A_23 = tpu.memref_slice %arg2[%arg0, %dma_wait3A_21, %dma_wait3A_22] : memref<2x10240x128xbf16, #tpu.memory_space<hbm>> -> memref<1x10240x128xbf16, #tpu.memory_space<hbm>>
    %dma_wait3A_24 = tpu.memref_squeeze %dma_wait3A_23 : memref<1x10240x128xbf16, #tpu.memory_space<hbm>> -> memref<10240x128xbf16, #tpu.memory_space<hbm>>
    %dma_wait3A_25 = arith.constant 0 : i32
    %dma_wait3A_26 = arith.constant 0 : i32
    %dma_wait3A_27 = tpu.memref_slice %dma_wait3A_24[%dma_wait3A_25, %dma_wait3A_26] : memref<10240x128xbf16, #tpu.memory_space<hbm>> -> memref<10240x128xbf16, #tpu.memory_space<hbm>>
    tpu.wait_indirect_dma semaphore(%arg11 : memref<!tpu.dma_semaphore, #tpu.memory_space<semaphore_mem>>) src(%dma_wait3A_27 : memref<10240x128xbf16, #tpu.memory_space<hbm>>) dst(%arg8 : memref<128x128xbf16, #tpu.memory_space<vmem>>)
    %barrier3A_28 = arith.constant 0 : index
    tpu.barrier barrier_id(%barrier3A_28)
    %mul3A_29 = arith.constant 640 : i32
    %mul3A_30 = arith.muli %arg1, %mul3A_29 : i32
    %mul3A_31 = arith.constant 640 : i32
    %mul3A_32 = arith.muli %arg1, %mul3A_31 : i32
    "tpu.region"() ({
      %run_scoped3A = tpu.sem_alloc : memref<!tpu.dma_semaphore, #tpu.memory_space<semaphore_mem>>
      %dma_start3A_33 = arith.constant 0 : i32
      %dma_start3A_34 = tpu.memref_slice %arg5[%arg0, %mul3A_32, %dma_start3A_33] : memref<2x10240x128xbf16, #tpu.memory_space<hbm>> -> memref<1x640x128xbf16, #tpu.memory_space<hbm>>
      %dma_start3A_35 = tpu.memref_squeeze %dma_start3A_34 : memref<1x640x128xbf16, #tpu.memory_space<hbm>> -> memref<640x128xbf16, #tpu.memory_space<hbm>>
      %dma_start3A_36 = arith.constant 0 : i32
      %dma_start3A_37 = tpu.memref_slice %arg10[%mul3A_30, %dma_start3A_36] : memref<10240x128xbf16, #tpu.memory_space<vmem_shared>> -> memref<640x128xbf16, #tpu.memory_space<vmem_shared>>
      tpu.enqueue_dma source(%dma_start3A_37 : memref<640x128xbf16, #tpu.memory_space<vmem_shared>>) target(%dma_start3A_35 : memref<640x128xbf16, #tpu.memory_space<hbm>>) target_semaphore(%run_scoped3A : memref<!tpu.dma_semaphore, #tpu.memory_space<semaphore_mem>>)
      %dma_wait3A_38 = arith.constant 0 : i32
      %dma_wait3A_39 = tpu.memref_slice %arg5[%arg0, %mul3A_32, %dma_wait3A_38] : memref<2x10240x128xbf16, #tpu.memory_space<hbm>> -> memref<1x640x128xbf16, #tpu.memory_space<hbm>>
      %dma_wait3A_40 = tpu.memref_squeeze %dma_wait3A_39 : memref<1x640x128xbf16, #tpu.memory_space<hbm>> -> memref<640x128xbf16, #tpu.memory_space<hbm>>
      %dma_wait3A_41 = arith.constant 0 : i32
      %dma_wait3A_42 = tpu.memref_slice %arg10[%mul3A_30, %dma_wait3A_41] : memref<10240x128xbf16, #tpu.memory_space<vmem_shared>> -> memref<640x128xbf16, #tpu.memory_space<vmem_shared>>
      tpu.wait_dma2 semaphore(%run_scoped3A : memref<!tpu.dma_semaphore, #tpu.memory_space<semaphore_mem>>) src(%dma_wait3A_42 : memref<640x128xbf16, #tpu.memory_space<vmem_shared>>) dst(%dma_wait3A_40 : memref<640x128xbf16, #tpu.memory_space<hbm>>)
      tpu.yield
    }) : () -> ()
    return
  }
}

module attributes {stable_mosaic.version = 14 : i64} {
  func.func @_first_body(%arg0: i32, %arg1: memref<2048x128xf32, #tpu.memory_space<vmem>>, %arg2: memref<128x256xf32, #tpu.memory_space<vmem>>, %arg3: memref<1x256xf32, #tpu.memory_space<vmem>>, %arg4: memref<256x512xf32, #tpu.memory_space<vmem>>, %arg5: memref<1x512xf32, #tpu.memory_space<vmem>>, %arg6: memref<512x256xf32, #tpu.memory_space<vmem>>, %arg7: memref<2x2048x128xbf16, #tpu.memory_space<vmem>>) attributes {dimension_semantics = [#tpu.dimension_semantics<arbitrary>], iteration_bounds = array<i64: 5>, scalar_prefetch = 0 : i64, scratch_operands = 0 : i64, tpu.core_type = #tpu.core_type<tc>, window_params = [{transform_indices = @transform_0, window_bounds = array<i64: 2048, 128>}, {pipeline_mode = #tpu.pipeline_mode<synchronous>, transform_indices = @transform_1, window_bounds = array<i64: 128, 256>}, {pipeline_mode = #tpu.pipeline_mode<synchronous>, transform_indices = @transform_2, window_bounds = array<i64: 1, 256>}, {pipeline_mode = #tpu.pipeline_mode<synchronous>, transform_indices = @transform_3, window_bounds = array<i64: 256, 512>}, {pipeline_mode = #tpu.pipeline_mode<synchronous>, transform_indices = @transform_4, window_bounds = array<i64: 1, 512>}, {pipeline_mode = #tpu.pipeline_mode<synchronous>, transform_indices = @transform_5, window_bounds = array<i64: 512, 256>}, {transform_indices = @transform_6, window_bounds = array<i64: 2, 2048, 128>}]} {
    %get3A = arith.constant 0 : index
    %get3A_0 = arith.constant 0 : index
    %get3A_1 = vector.load %arg1[%get3A, %get3A_0] : memref<2048x128xf32, #tpu.memory_space<vmem>>, vector<2048x128xf32>
    %get3A_2 = arith.constant 0 : index
    %get3A_3 = arith.constant 0 : index
    %get3A_4 = vector.load %arg2[%get3A_2, %get3A_3] : memref<128x256xf32, #tpu.memory_space<vmem>>, vector<128x256xf32>
    %dot_general3A = arith.constant dense<0.000000e+00> : vector<2048x256xf32>
    %dot_general3A_5 = tpu.matmul %get3A_1, %get3A_4, %dot_general3A {dimension_numbers = #tpu.dot_dimension_numbers<[1], [0], [0], [1], [0, 0, 1, 1], [], []>, transpose_lhs_hint = false} : vector<2048x128xf32>, vector<128x256xf32>, vector<2048x256xf32> -> vector<2048x256xf32>
    %get3A_6 = arith.constant 0 : index
    %get3A_7 = arith.constant 0 : index
    %get3A_8 = vector.load %arg3[%get3A_6, %get3A_7] : memref<1x256xf32, #tpu.memory_space<vmem>>, vector<1x256xf32>
    %add3A = vector.broadcast %get3A_8 : vector<1x256xf32> to vector<2048x256xf32>
    %add3A_9 = arith.addf %dot_general3A_5, %add3A : vector<2048x256xf32>
    %get3A_10 = arith.constant 0 : index
    %get3A_11 = arith.constant 0 : index
    %get3A_12 = vector.load %arg4[%get3A_10, %get3A_11] : memref<256x512xf32, #tpu.memory_space<vmem>>, vector<256x512xf32>
    %dot_general3A_13 = arith.constant dense<0.000000e+00> : vector<2048x512xf32>
    %dot_general3A_14 = tpu.matmul %add3A_9, %get3A_12, %dot_general3A_13 {dimension_numbers = #tpu.dot_dimension_numbers<[1], [0], [0], [1], [0, 0, 1, 1], [], []>, transpose_lhs_hint = false} : vector<2048x256xf32>, vector<256x512xf32>, vector<2048x512xf32> -> vector<2048x512xf32>
    %get3A_15 = arith.constant 0 : index
    %get3A_16 = arith.constant 0 : index
    %get3A_17 = vector.load %arg5[%get3A_15, %get3A_16] : memref<1x512xf32, #tpu.memory_space<vmem>>, vector<1x512xf32>
    %add3A_18 = vector.broadcast %get3A_17 : vector<1x512xf32> to vector<2048x512xf32>
    %add3A_19 = arith.addf %dot_general3A_14, %add3A_18 : vector<2048x512xf32>
    %max3A = arith.constant 0.000000e+00 : f32
    %max3A_20 = vector.broadcast %max3A : f32 to vector<2048x512xf32>
    %max3A_21 = arith.maximumf %add3A_19, %max3A_20 : vector<2048x512xf32>
    %get3A_22 = arith.constant 0 : index
    %get3A_23 = arith.constant 0 : index
    %get3A_24 = vector.load %arg6[%get3A_22, %get3A_23] : memref<512x256xf32, #tpu.memory_space<vmem>>, vector<512x256xf32>
    %dot_general3A_25 = arith.constant dense<0.000000e+00> : vector<2048x256xf32>
    %dot_general3A_26 = tpu.matmul %max3A_21, %get3A_24, %dot_general3A_25 {dimension_numbers = #tpu.dot_dimension_numbers<[1], [0], [0], [1], [0, 0, 1, 1], [], []>, transpose_lhs_hint = false} : vector<2048x512xf32>, vector<512x256xf32>, vector<2048x256xf32> -> vector<2048x256xf32>
    %slice3A = vector.extract_strided_slice %dot_general3A_26 {offsets = [0, 0], sizes = [2048, 128], strides = [1, 1]} : vector<2048x256xf32> to vector<2048x128xf32>
    %convert_element_type3A = arith.truncf %slice3A : vector<2048x128xf32> to vector<2048x128xbf16>
    %swap3A = arith.constant 0 : index
    %swap3A_27 = arith.constant 0 : index
    %swap3A_28 = arith.constant 0 : index
    %swap3A_29 = vector.load %arg7[%swap3A, %swap3A_27, %swap3A_28] : memref<2x2048x128xbf16, #tpu.memory_space<vmem>>, vector<1x2048x128xbf16>
    %swap3A_30 = vector.shape_cast %swap3A_29 : vector<1x2048x128xbf16> to vector<2048x128xbf16>
    %swap3A_31 = vector.shape_cast %convert_element_type3A : vector<2048x128xbf16> to vector<1x2048x128xbf16>
    tpu.vector_store %arg7[%swap3A, %swap3A_27, %swap3A_28], %swap3A_31 {strides = array<i32>} : memref<2x2048x128xbf16, #tpu.memory_space<vmem>>, vector<1x2048x128xbf16>,
    %slice3A_32 = vector.extract_strided_slice %dot_general3A_26 {offsets = [0, 128], sizes = [2048, 128], strides = [1, 1]} : vector<2048x256xf32> to vector<2048x128xf32>
    %convert_element_type3A_33 = arith.truncf %slice3A_32 : vector<2048x128xf32> to vector<2048x128xbf16>
    %swap3A_34 = arith.constant 1 : index
    %swap3A_35 = arith.constant 0 : index
    %swap3A_36 = arith.constant 0 : index
    %swap3A_37 = vector.load %arg7[%swap3A_34, %swap3A_35, %swap3A_36] : memref<2x2048x128xbf16, #tpu.memory_space<vmem>>, vector<1x2048x128xbf16>
    %swap3A_38 = vector.shape_cast %swap3A_37 : vector<1x2048x128xbf16> to vector<2048x128xbf16>
    %swap3A_39 = vector.shape_cast %convert_element_type3A_33 : vector<2048x128xbf16> to vector<1x2048x128xbf16>
    tpu.vector_store %arg7[%swap3A_34, %swap3A_35, %swap3A_36], %swap3A_39 {strides = array<i32>} : memref<2x2048x128xbf16, #tpu.memory_space<vmem>>, vector<1x2048x128xbf16>,
    return
  }
  func.func @transform_0(%arg0: i32) -> (i32, i32) {
    %c0_i32 = arith.constant 0 : i32
    %c0_i32_0 = arith.constant 0 : i32
    return %arg0, %c0_i32 : i32, i32
  }
  func.func @transform_1(%arg0: i32) -> (i32, i32) {
    %c0_i32 = arith.constant 0 : i32
    %c0_i32_0 = arith.constant 0 : i32
    %c0_i32_1 = arith.constant 0 : i32
    return %c0_i32, %c0_i32_0 : i32, i32
  }
  func.func @transform_2(%arg0: i32) -> (i32, i32) {
    %c0_i32 = arith.constant 0 : i32
    %c0_i32_0 = arith.constant 0 : i32
    %c0_i32_1 = arith.constant 0 : i32
    return %c0_i32, %c0_i32_0 : i32, i32
  }
  func.func @transform_3(%arg0: i32) -> (i32, i32) {
    %c0_i32 = arith.constant 0 : i32
    %c0_i32_0 = arith.constant 0 : i32
    %c0_i32_1 = arith.constant 0 : i32
    return %c0_i32, %c0_i32_0 : i32, i32
  }
  func.func @transform_4(%arg0: i32) -> (i32, i32) {
    %c0_i32 = arith.constant 0 : i32
    %c0_i32_0 = arith.constant 0 : i32
    %c0_i32_1 = arith.constant 0 : i32
    return %c0_i32, %c0_i32_0 : i32, i32
  }
  func.func @transform_5(%arg0: i32) -> (i32, i32) {
    %c0_i32 = arith.constant 0 : i32
    %c0_i32_0 = arith.constant 0 : i32
    %c0_i32_1 = arith.constant 0 : i32
    return %c0_i32, %c0_i32_0 : i32, i32
  }
  func.func @transform_6(%arg0: i32) -> (i32, i32, i32) {
    %c0_i32 = arith.constant 0 : i32
    %c0_i32_0 = arith.constant 0 : i32
    %c0_i32_1 = arith.constant 0 : i32
    return %c0_i32, %arg0, %c0_i32_0 : i32, i32, i32
  }
}

module attributes {stable_mosaic.version = 14 : i64} {
  func.func @_mid_body(%arg0: i32, %arg1: memref<2x2048x128xbf16, #tpu.memory_space<vmem>>, %arg2: memref<1x256xf32, #tpu.memory_space<vmem>>, %arg3: memref<256x512xf32, #tpu.memory_space<vmem>>, %arg4: memref<1x512xf32, #tpu.memory_space<vmem>>, %arg5: memref<512x256xf32, #tpu.memory_space<vmem>>, %arg6: memref<2x2048x128xbf16, #tpu.memory_space<vmem>>) attributes {dimension_semantics = [#tpu.dimension_semantics<arbitrary>], iteration_bounds = array<i64: 5>, scalar_prefetch = 0 : i64, scratch_operands = 0 : i64, tpu.core_type = #tpu.core_type<tc>, window_params = [{transform_indices = @transform_0, window_bounds = array<i64: 2, 2048, 128>}, {pipeline_mode = #tpu.pipeline_mode<synchronous>, transform_indices = @transform_1, window_bounds = array<i64: 1, 256>}, {pipeline_mode = #tpu.pipeline_mode<synchronous>, transform_indices = @transform_2, window_bounds = array<i64: 256, 512>}, {pipeline_mode = #tpu.pipeline_mode<synchronous>, transform_indices = @transform_3, window_bounds = array<i64: 1, 512>}, {pipeline_mode = #tpu.pipeline_mode<synchronous>, transform_indices = @transform_4, window_bounds = array<i64: 512, 256>}, {transform_indices = @transform_5, window_bounds = array<i64: 2, 2048, 128>}]} {
    %get3A = arith.constant 0 : index
    %get3A_0 = arith.constant 0 : index
    %get3A_1 = arith.constant 0 : index
    %get3A_2 = vector.load %arg1[%get3A, %get3A_0, %get3A_1] : memref<2x2048x128xbf16, #tpu.memory_space<vmem>>, vector<1x2048x128xbf16>
    %get3A_3 = vector.shape_cast %get3A_2 : vector<1x2048x128xbf16> to vector<2048x128xbf16>
    %get3A_4 = arith.constant 1 : index
    %get3A_5 = arith.constant 0 : index
    %get3A_6 = arith.constant 0 : index
    %get3A_7 = vector.load %arg1[%get3A_4, %get3A_5, %get3A_6] : memref<2x2048x128xbf16, #tpu.memory_space<vmem>>, vector<1x2048x128xbf16>
    %get3A_8 = vector.shape_cast %get3A_7 : vector<1x2048x128xbf16> to vector<2048x128xbf16>
    %concatenate3A = tpu.concatenate %get3A_3, %get3A_8 in 1 : vector<2048x128xbf16>, vector<2048x128xbf16> -> vector<2048x256xbf16>
    %convert_element_type3A = arith.extf %concatenate3A : vector<2048x256xbf16> to vector<2048x256xf32>
    %get3A_9 = arith.constant 0 : index
    %get3A_10 = arith.constant 0 : index
    %get3A_11 = vector.load %arg2[%get3A_9, %get3A_10] : memref<1x256xf32, #tpu.memory_space<vmem>>, vector<1x256xf32>
    %add3A = vector.broadcast %get3A_11 : vector<1x256xf32> to vector<2048x256xf32>
    %add3A_12 = arith.addf %convert_element_type3A, %add3A : vector<2048x256xf32>
    %max3A = arith.constant 0.000000e+00 : f32
    %max3A_13 = vector.broadcast %max3A : f32 to vector<2048x256xf32>
    %max3A_14 = arith.maximumf %add3A_12, %max3A_13 : vector<2048x256xf32>
    %get3A_15 = arith.constant 0 : index
    %get3A_16 = arith.constant 0 : index
    %get3A_17 = vector.load %arg3[%get3A_15, %get3A_16] : memref<256x512xf32, #tpu.memory_space<vmem>>, vector<256x512xf32>
    %dot_general3A = arith.constant dense<0.000000e+00> : vector<2048x512xf32>
    %dot_general3A_18 = tpu.matmul %max3A_14, %get3A_17, %dot_general3A {dimension_numbers = #tpu.dot_dimension_numbers<[1], [0], [0], [1], [0, 0, 1, 1], [], []>, transpose_lhs_hint = false} : vector<2048x256xf32>, vector<256x512xf32>, vector<2048x512xf32> -> vector<2048x512xf32>
    %get3A_19 = arith.constant 0 : index
    %get3A_20 = arith.constant 0 : index
    %get3A_21 = vector.load %arg4[%get3A_19, %get3A_20] : memref<1x512xf32, #tpu.memory_space<vmem>>, vector<1x512xf32>
    %add3A_22 = vector.broadcast %get3A_21 : vector<1x512xf32> to vector<2048x512xf32>
    %add3A_23 = arith.addf %dot_general3A_18, %add3A_22 : vector<2048x512xf32>
    %max3A_24 = arith.constant 0.000000e+00 : f32
    %max3A_25 = vector.broadcast %max3A_24 : f32 to vector<2048x512xf32>
    %max3A_26 = arith.maximumf %add3A_23, %max3A_25 : vector<2048x512xf32>
    %get3A_27 = arith.constant 0 : index
    %get3A_28 = arith.constant 0 : index
    %get3A_29 = vector.load %arg5[%get3A_27, %get3A_28] : memref<512x256xf32, #tpu.memory_space<vmem>>, vector<512x256xf32>
    %dot_general3A_30 = arith.constant dense<0.000000e+00> : vector<2048x256xf32>
    %dot_general3A_31 = tpu.matmul %max3A_26, %get3A_29, %dot_general3A_30 {dimension_numbers = #tpu.dot_dimension_numbers<[1], [0], [0], [1], [0, 0, 1, 1], [], []>, transpose_lhs_hint = false} : vector<2048x512xf32>, vector<512x256xf32>, vector<2048x256xf32> -> vector<2048x256xf32>
    %slice3A = vector.extract_strided_slice %dot_general3A_31 {offsets = [0, 0], sizes = [2048, 128], strides = [1, 1]} : vector<2048x256xf32> to vector<2048x128xf32>
    %convert_element_type3A_32 = arith.truncf %slice3A : vector<2048x128xf32> to vector<2048x128xbf16>
    %swap3A = arith.constant 0 : index
    %swap3A_33 = arith.constant 0 : index
    %swap3A_34 = arith.constant 0 : index
    %swap3A_35 = vector.load %arg6[%swap3A, %swap3A_33, %swap3A_34] : memref<2x2048x128xbf16, #tpu.memory_space<vmem>>, vector<1x2048x128xbf16>
    %swap3A_36 = vector.shape_cast %swap3A_35 : vector<1x2048x128xbf16> to vector<2048x128xbf16>
    %swap3A_37 = vector.shape_cast %convert_element_type3A_32 : vector<2048x128xbf16> to vector<1x2048x128xbf16>
    tpu.vector_store %arg6[%swap3A, %swap3A_33, %swap3A_34], %swap3A_37 {strides = array<i32>} : memref<2x2048x128xbf16, #tpu.memory_space<vmem>>, vector<1x2048x128xbf16>,
    %slice3A_38 = vector.extract_strided_slice %dot_general3A_31 {offsets = [0, 128], sizes = [2048, 128], strides = [1, 1]} : vector<2048x256xf32> to vector<2048x128xf32>
    %convert_element_type3A_39 = arith.truncf %slice3A_38 : vector<2048x128xf32> to vector<2048x128xbf16>
    %swap3A_40 = arith.constant 1 : index
    %swap3A_41 = arith.constant 0 : index
    %swap3A_42 = arith.constant 0 : index
    %swap3A_43 = vector.load %arg6[%swap3A_40, %swap3A_41, %swap3A_42] : memref<2x2048x128xbf16, #tpu.memory_space<vmem>>, vector<1x2048x128xbf16>
    %swap3A_44 = vector.shape_cast %swap3A_43 : vector<1x2048x128xbf16> to vector<2048x128xbf16>
    %swap3A_45 = vector.shape_cast %convert_element_type3A_39 : vector<2048x128xbf16> to vector<1x2048x128xbf16>
    tpu.vector_store %arg6[%swap3A_40, %swap3A_41, %swap3A_42], %swap3A_45 {strides = array<i32>} : memref<2x2048x128xbf16, #tpu.memory_space<vmem>>, vector<1x2048x128xbf16>,
    return
  }
  func.func @transform_0(%arg0: i32) -> (i32, i32, i32) {
    %c0_i32 = arith.constant 0 : i32
    %c0_i32_0 = arith.constant 0 : i32
    %c0_i32_1 = arith.constant 0 : i32
    return %c0_i32, %arg0, %c0_i32_0 : i32, i32, i32
  }
  func.func @transform_1(%arg0: i32) -> (i32, i32) {
    %c0_i32 = arith.constant 0 : i32
    %c0_i32_0 = arith.constant 0 : i32
    %c0_i32_1 = arith.constant 0 : i32
    return %c0_i32, %c0_i32_0 : i32, i32
  }
  func.func @transform_2(%arg0: i32) -> (i32, i32) {
    %c0_i32 = arith.constant 0 : i32
    %c0_i32_0 = arith.constant 0 : i32
    %c0_i32_1 = arith.constant 0 : i32
    return %c0_i32, %c0_i32_0 : i32, i32
  }
  func.func @transform_3(%arg0: i32) -> (i32, i32) {
    %c0_i32 = arith.constant 0 : i32
    %c0_i32_0 = arith.constant 0 : i32
    %c0_i32_1 = arith.constant 0 : i32
    return %c0_i32, %c0_i32_0 : i32, i32
  }
  func.func @transform_4(%arg0: i32) -> (i32, i32) {
    %c0_i32 = arith.constant 0 : i32
    %c0_i32_0 = arith.constant 0 : i32
    %c0_i32_1 = arith.constant 0 : i32
    return %c0_i32, %c0_i32_0 : i32, i32
  }
  func.func @transform_5(%arg0: i32) -> (i32, i32, i32) {
    %c0_i32 = arith.constant 0 : i32
    %c0_i32_0 = arith.constant 0 : i32
    %c0_i32_1 = arith.constant 0 : i32
    return %c0_i32, %arg0, %c0_i32_0 : i32, i32, i32
  }
}

module attributes {stable_mosaic.version = 14 : i64} {
  func.func @_final_body(%arg0: i32, %arg1: memref<2x2048x128xbf16, #tpu.memory_space<vmem>>, %arg2: memref<1x256xf32, #tpu.memory_space<vmem>>, %arg3: memref<1x1x2048xi32, #tpu.memory_space<vmem>>, %arg4: memref<256x256xf32, #tpu.memory_space<vmem>>, %arg5: memref<1x256xf32, #tpu.memory_space<vmem>>, %arg6: memref<256x10xf32, #tpu.memory_space<vmem>>, %arg7: memref<1x10xf32, #tpu.memory_space<vmem>>, %arg8: memref<64x10xf32, #tpu.memory_space<vmem>>, %arg9: memref<64x256xf32, #tpu.memory_space<vmem>>, %arg10: memref<64x128xf32, #tpu.memory_space<vmem>>) attributes {dimension_semantics = [#tpu.dimension_semantics<arbitrary>], iteration_bounds = array<i64: 5>, scalar_prefetch = 0 : i64, scratch_operands = 2 : i64, tpu.core_type = #tpu.core_type<tc>, window_params = [{transform_indices = @transform_0, window_bounds = array<i64: 2, 2048, 128>}, {pipeline_mode = #tpu.pipeline_mode<synchronous>, transform_indices = @transform_1, window_bounds = array<i64: 1, 256>}, {transform_indices = @transform_2, window_bounds = array<i64: 1, 1, 2048>}, {pipeline_mode = #tpu.pipeline_mode<synchronous>, transform_indices = @transform_3, window_bounds = array<i64: 256, 256>}, {pipeline_mode = #tpu.pipeline_mode<synchronous>, transform_indices = @transform_4, window_bounds = array<i64: 1, 256>}, {pipeline_mode = #tpu.pipeline_mode<synchronous>, transform_indices = @transform_5, window_bounds = array<i64: 256, 10>}, {pipeline_mode = #tpu.pipeline_mode<synchronous>, transform_indices = @transform_6, window_bounds = array<i64: 1, 10>}, {pipeline_mode = #tpu.pipeline_mode<synchronous>, transform_indices = @transform_7, window_bounds = array<i64: 64, 10>}]} {
    %eq3A = arith.constant 0 : i32
    %eq3A_0 = arith.cmpi eq, %arg0, %eq3A : i32
    %convert_element_type3A = arith.extui %eq3A_0 : i1 to i32
    %cond3A = arith.constant 0 : i32
    %cond3A_1 = arith.cmpi ne, %convert_element_type3A, %cond3A : i32
    scf.if %cond3A_1 {
      %broadcast_in_dim3A_50 = arith.constant 0.000000e+00 : f32
      %broadcast_in_dim3A_51 = vector.broadcast %broadcast_in_dim3A_50 : f32 to vector<64x256xf32>
      %swap3A_52 = arith.constant 0 : index
      %swap3A_53 = arith.constant 0 : index
      %swap3A_54 = vector.load %arg9[%swap3A_52, %swap3A_53] : memref<64x256xf32, #tpu.memory_space<vmem>>, vector<64x256xf32>
      tpu.vector_store %arg9[%swap3A_52, %swap3A_53], %broadcast_in_dim3A_51 {strides = array<i32>} : memref<64x256xf32, #tpu.memory_space<vmem>>, vector<64x256xf32>,
      %broadcast_in_dim3A_55 = arith.constant 0.000000e+00 : f32
      %broadcast_in_dim3A_56 = vector.broadcast %broadcast_in_dim3A_55 : f32 to vector<64x128xf32>
      %swap3A_57 = arith.constant 0 : index
      %swap3A_58 = arith.constant 0 : index
      %swap3A_59 = vector.load %arg10[%swap3A_57, %swap3A_58] : memref<64x128xf32, #tpu.memory_space<vmem>>, vector<64x128xf32>
      tpu.vector_store %arg10[%swap3A_57, %swap3A_58], %broadcast_in_dim3A_56 {strides = array<i32>} : memref<64x128xf32, #tpu.memory_space<vmem>>, vector<64x128xf32>,
    } else {
    }
    %get3A = arith.constant 0 : index
    %get3A_2 = arith.constant 0 : index
    %get3A_3 = arith.constant 0 : index
    %get3A_4 = vector.load %arg1[%get3A, %get3A_2, %get3A_3] : memref<2x2048x128xbf16, #tpu.memory_space<vmem>>, vector<1x2048x128xbf16>
    %get3A_5 = vector.shape_cast %get3A_4 : vector<1x2048x128xbf16> to vector<2048x128xbf16>
    %get3A_6 = arith.constant 1 : index
    %get3A_7 = arith.constant 0 : index
    %get3A_8 = arith.constant 0 : index
    %get3A_9 = vector.load %arg1[%get3A_6, %get3A_7, %get3A_8] : memref<2x2048x128xbf16, #tpu.memory_space<vmem>>, vector<1x2048x128xbf16>
    %get3A_10 = vector.shape_cast %get3A_9 : vector<1x2048x128xbf16> to vector<2048x128xbf16>
    %concatenate3A = tpu.concatenate %get3A_5, %get3A_10 in 1 : vector<2048x128xbf16>, vector<2048x128xbf16> -> vector<2048x256xbf16>
    %convert_element_type3A_11 = arith.extf %concatenate3A : vector<2048x256xbf16> to vector<2048x256xf32>
    %get3A_12 = arith.constant 0 : index
    %get3A_13 = arith.constant 0 : index
    %get3A_14 = vector.load %arg2[%get3A_12, %get3A_13] : memref<1x256xf32, #tpu.memory_space<vmem>>, vector<1x256xf32>
    %add3A = vector.broadcast %get3A_14 : vector<1x256xf32> to vector<2048x256xf32>
    %add3A_15 = arith.addf %convert_element_type3A_11, %add3A : vector<2048x256xf32>
    %max3A = arith.constant 0.000000e+00 : f32
    %max3A_16 = vector.broadcast %max3A : f32 to vector<2048x256xf32>
    %max3A_17 = arith.maximumf %add3A_15, %max3A_16 : vector<2048x256xf32>
    %get3A_18 = arith.constant 0 : index
    %get3A_19 = arith.constant 0 : index
    %get3A_20 = arith.constant 0 : index
    %get3A_21 = vector.load %arg3[%get3A_18, %get3A_19, %get3A_20] : memref<1x1x2048xi32, #tpu.memory_space<vmem>>, vector<1x1x2048xi32>
    %get3A_22 = vector.shape_cast %get3A_21 : vector<1x1x2048xi32> to vector<1x2048xi32>
    %broadcast_in_dim3A = vector.shape_cast %get3A_22 : vector<1x2048xi32> to vector<1x2048xi32>
    %broadcast_in_dim3A_23 = vector.broadcast %broadcast_in_dim3A : vector<1x2048xi32> to vector<64x2048xi32>
    %iota3A = tpu.iota {dimensions = array<i32: 0>} : vector<64x2048xi32>
    %eq3A_24 = arith.cmpi eq, %iota3A, %broadcast_in_dim3A_23 : vector<64x2048xi32>
    %convert_element_type3A_25 = arith.extui %eq3A_24 : vector<64x2048xi1> to vector<64x2048xi32>
    %convert_element_type3A_26 = arith.sitofp %convert_element_type3A_25 : vector<64x2048xi32> to vector<64x2048xf32>
    %get3A_27 = arith.constant 0 : index
    %get3A_28 = arith.constant 0 : index
    %get3A_29 = vector.load %arg9[%get3A_27, %get3A_28] : memref<64x256xf32, #tpu.memory_space<vmem>>, vector<64x256xf32>
    %dot_general3A = arith.constant dense<0.000000e+00> : vector<64x256xf32>
    %dot_general3A_30 = tpu.matmul %convert_element_type3A_26, %max3A_17, %dot_general3A {dimension_numbers = #tpu.dot_dimension_numbers<[1], [0], [0], [1], [0, 0, 1, 1], [], []>, transpose_lhs_hint = false} : vector<64x2048xf32>, vector<2048x256xf32>, vector<64x256xf32> -> vector<64x256xf32>
    %add3A_31 = arith.addf %get3A_29, %dot_general3A_30 : vector<64x256xf32>
    %swap3A = arith.constant 0 : index
    %swap3A_32 = arith.constant 0 : index
    %swap3A_33 = vector.load %arg9[%swap3A, %swap3A_32] : memref<64x256xf32, #tpu.memory_space<vmem>>, vector<64x256xf32>
    tpu.vector_store %arg9[%swap3A, %swap3A_32], %add3A_31 {strides = array<i32>} : memref<64x256xf32, #tpu.memory_space<vmem>>, vector<64x256xf32>,
    %get3A_34 = arith.constant 0 : index
    %get3A_35 = arith.constant 0 : index
    %get3A_36 = vector.load %arg10[%get3A_34, %get3A_35] : memref<64x128xf32, #tpu.memory_space<vmem>>, vector<64x128xf32>
    %broadcast_in_dim3A_37 = arith.constant 1.000000e+00 : f32
    %broadcast_in_dim3A_38 = vector.broadcast %broadcast_in_dim3A_37 : f32 to vector<2048x128xf32>
    %dot_general3A_39 = arith.constant dense<0.000000e+00> : vector<64x128xf32>
    %dot_general3A_40 = tpu.matmul %convert_element_type3A_26, %broadcast_in_dim3A_38, %dot_general3A_39 {dimension_numbers = #tpu.dot_dimension_numbers<[1], [0], [0], [1], [0, 0, 1, 1], [], []>, transpose_lhs_hint = false} : vector<64x2048xf32>, vector<2048x128xf32>, vector<64x128xf32> -> vector<64x128xf32>
    %add3A_41 = arith.addf %get3A_36, %dot_general3A_40 : vector<64x128xf32>
    %swap3A_42 = arith.constant 0 : index
    %swap3A_43 = arith.constant 0 : index
    %swap3A_44 = vector.load %arg10[%swap3A_42, %swap3A_43] : memref<64x128xf32, #tpu.memory_space<vmem>>, vector<64x128xf32>
    tpu.vector_store %arg10[%swap3A_42, %swap3A_43], %add3A_41 {strides = array<i32>} : memref<64x128xf32, #tpu.memory_space<vmem>>, vector<64x128xf32>,
    %eq3A_45 = arith.constant 4 : i32
    %eq3A_46 = arith.cmpi eq, %arg0, %eq3A_45 : i32
    %convert_element_type3A_47 = arith.extui %eq3A_46 : i1 to i32
    %cond3A_48 = arith.constant 0 : i32
    %cond3A_49 = arith.cmpi ne, %convert_element_type3A_47, %cond3A_48 : i32
    scf.if %cond3A_49 {
      %get3A_50 = arith.constant 0 : index
      %get3A_51 = arith.constant 0 : index
      %get3A_52 = vector.load %arg10[%get3A_50, %get3A_51] : memref<64x128xf32, #tpu.memory_space<vmem>>, vector<64x1xf32>
      %max3A_53 = arith.constant 1.000000e+00 : f32
      %max3A_54 = vector.broadcast %max3A_53 : f32 to vector<64x1xf32>
      %max3A_55 = arith.maximumf %get3A_52, %max3A_54 : vector<64x1xf32>
      %get3A_56 = arith.constant 0 : index
      %get3A_57 = arith.constant 0 : index
      %get3A_58 = vector.load %arg9[%get3A_56, %get3A_57] : memref<64x256xf32, #tpu.memory_space<vmem>>, vector<64x256xf32>
      %div3A = vector.broadcast %max3A_55 : vector<64x1xf32> to vector<64x256xf32>
      %div3A_59 = arith.divf %get3A_58, %div3A : vector<64x256xf32>
      %get3A_60 = arith.constant 0 : index
      %get3A_61 = arith.constant 0 : index
      %get3A_62 = vector.load %arg4[%get3A_60, %get3A_61] : memref<256x256xf32, #tpu.memory_space<vmem>>, vector<256x256xf32>
      %dot_general3A_63 = arith.constant dense<0.000000e+00> : vector<64x256xf32>
      %dot_general3A_64 = tpu.matmul %div3A_59, %get3A_62, %dot_general3A_63 {dimension_numbers = #tpu.dot_dimension_numbers<[1], [0], [0], [1], [0, 0, 1, 1], [], []>, transpose_lhs_hint = false} : vector<64x256xf32>, vector<256x256xf32>, vector<64x256xf32> -> vector<64x256xf32>
      %get3A_65 = arith.constant 0 : index
      %get3A_66 = arith.constant 0 : index
      %get3A_67 = vector.load %arg5[%get3A_65, %get3A_66] : memref<1x256xf32, #tpu.memory_space<vmem>>, vector<1x256xf32>
      %add3A_68 = vector.broadcast %get3A_67 : vector<1x256xf32> to vector<64x256xf32>
      %add3A_69 = arith.addf %dot_general3A_64, %add3A_68 : vector<64x256xf32>
      %max3A_70 = arith.constant 0.000000e+00 : f32
      %max3A_71 = vector.broadcast %max3A_70 : f32 to vector<64x256xf32>
      %max3A_72 = arith.maximumf %add3A_69, %max3A_71 : vector<64x256xf32>
      %get3A_73 = arith.constant 0 : index
      %get3A_74 = arith.constant 0 : index
      %get3A_75 = vector.load %arg6[%get3A_73, %get3A_74] : memref<256x10xf32, #tpu.memory_space<vmem>>, vector<256x10xf32>
      %dot_general3A_76 = arith.constant dense<0.000000e+00> : vector<64x10xf32>
      %dot_general3A_77 = tpu.matmul %max3A_72, %get3A_75, %dot_general3A_76 {dimension_numbers = #tpu.dot_dimension_numbers<[1], [0], [0], [1], [0, 0, 1, 1], [], []>, transpose_lhs_hint = false} : vector<64x256xf32>, vector<256x10xf32>, vector<64x10xf32> -> vector<64x10xf32>
      %get3A_78 = arith.constant 0 : index
      %get3A_79 = arith.constant 0 : index
      %get3A_80 = vector.load %arg7[%get3A_78, %get3A_79] : memref<1x10xf32, #tpu.memory_space<vmem>>, vector<1x10xf32>
      %add3A_81 = vector.broadcast %get3A_80 : vector<1x10xf32> to vector<64x10xf32>
      %add3A_82 = arith.addf %dot_general3A_77, %add3A_81 : vector<64x10xf32>
      %reduce_max3A = arith.constant dense<0xFF800000> : vector<64xf32>
      %reduce_max3A_83 = vector.multi_reduction <maximumf>, %add3A_82, %reduce_max3A [1] : vector<64x10xf32> to vector<64xf32>
      %broadcast_in_dim3A_84 = vector.shape_cast %reduce_max3A_83 : vector<64xf32> to vector<64x1xf32>
      %sub3A = vector.broadcast %broadcast_in_dim3A_84 : vector<64x1xf32> to vector<64x10xf32>
      %sub3A_85 = arith.subf %add3A_82, %sub3A : vector<64x10xf32>
      %exp3A = math.exp %sub3A_85 : vector<64x10xf32>
      %reduce_sum3A = arith.constant dense<0.000000e+00> : vector<64xf32>
      %reduce_sum3A_86 = vector.multi_reduction <add>, %exp3A, %reduce_sum3A [1] : vector<64x10xf32> to vector<64xf32>
      %broadcast_in_dim3A_87 = vector.shape_cast %reduce_sum3A_86 : vector<64xf32> to vector<64x1xf32>
      %log3A = math.log %broadcast_in_dim3A_87 : vector<64x1xf32>
      %add3A_88 = arith.addf %log3A, %broadcast_in_dim3A_84 : vector<64x1xf32>
      %sub3A_89 = vector.broadcast %add3A_88 : vector<64x1xf32> to vector<64x10xf32>
      %sub3A_90 = arith.subf %add3A_82, %sub3A_89 : vector<64x10xf32>
      %swap3A_91 = arith.constant 0 : index
      %swap3A_92 = arith.constant 0 : index
      %swap3A_93 = vector.load %arg8[%swap3A_91, %swap3A_92] : memref<64x10xf32, #tpu.memory_space<vmem>>, vector<64x10xf32>
      tpu.vector_store %arg8[%swap3A_91, %swap3A_92], %sub3A_90 {strides = array<i32>} : memref<64x10xf32, #tpu.memory_space<vmem>>, vector<64x10xf32>,
    } else {
    }
    return
  }
  func.func @transform_0(%arg0: i32) -> (i32, i32, i32) {
    %c0_i32 = arith.constant 0 : i32
    %c0_i32_0 = arith.constant 0 : i32
    %c0_i32_1 = arith.constant 0 : i32
    return %c0_i32, %arg0, %c0_i32_0 : i32, i32, i32
  }
  func.func @transform_1(%arg0: i32) -> (i32, i32) {
    %c0_i32 = arith.constant 0 : i32
    %c0_i32_0 = arith.constant 0 : i32
    %c0_i32_1 = arith.constant 0 : i32
    return %c0_i32, %c0_i32_0 : i32, i32
  }
  func.func @transform_2(%arg0: i32) -> (i32, i32, i32) {
    %c0_i32 = arith.constant 0 : i32
    %c0_i32_0 = arith.constant 0 : i32
    %c0_i32_1 = arith.constant 0 : i32
    return %arg0, %c0_i32, %c0_i32_0 : i32, i32, i32
  }
  func.func @transform_3(%arg0: i32) -> (i32, i32) {
    %c0_i32 = arith.constant 0 : i32
    %c0_i32_0 = arith.constant 0 : i32
    %c0_i32_1 = arith.constant 0 : i32
    return %c0_i32, %c0_i32_0 : i32, i32
  }
  func.func @transform_4(%arg0: i32) -> (i32, i32) {
    %c0_i32 = arith.constant 0 : i32
    %c0_i32_0 = arith.constant 0 : i32
    %c0_i32_1 = arith.constant 0 : i32
    return %c0_i32, %c0_i32_0 : i32, i32
  }
  func.func @transform_5(%arg0: i32) -> (i32, i32) {
    %c0_i32 = arith.constant 0 : i32
    %c0_i32_0 = arith.constant 0 : i32
    %c0_i32_1 = arith.constant 0 : i32
    return %c0_i32, %c0_i32_0 : i32, i32
  }
  func.func @transform_6(%arg0: i32) -> (i32, i32) {
    %c0_i32 = arith.constant 0 : i32
    %c0_i32_0 = arith.constant 0 : i32
    %c0_i32_1 = arith.constant 0 : i32
    return %c0_i32, %c0_i32_0 : i32, i32
  }
  func.func @transform_7(%arg0: i32) -> (i32, i32) {
    %c0_i32 = arith.constant 0 : i32
    %c0_i32_0 = arith.constant 0 : i32
    %c0_i32_1 = arith.constant 0 : i32
    return %c0_i32, %c0_i32_0 : i32, i32
  }
}

</mosaic_0001>

<sc_bundles>
// kernel: kernel.12.cloned.1.call-start
scs
__scs_entry_jumppad:
0x0: {  	(pc) =	sbr.rel $0x88, $3  }
0x1: {  	(tag) =	ssettag $0x0;
	lr =	simm.s32 $0x1  }
0x2: {  	[smem:$0x3F94] =	sst lr;
	_ =	strace $0xD0000000  }
0x3: {  	_ = 	snop  }
0x4: {  	_ = 	snop  }
0x5: {  	_ = 	snop  }
0x6: {  	_ = 	snop  }
0x7: {  	_ = 	snop  }
__scs_overlays_trampoline_lowered:
0x8: {  	[smem:$0x3FA3] =	sst s0  }
0x9: {  	[smem:$0x3FA4] =	sst s1  }
0xa: {  	[smem:$0x3FA5] =	sst s2  }
0xb: {  	[smem:$0x3FA6] =	sst s3  }
0xc: {  	[smem:$0x3FA7] =	sst s4  }
0xd: {  	[smem:$0x3FA8] =	sst s5  }
0xe: {  	[smem:$0x3FA9] =	sst s6  }
0xf: {  	[smem:$0x3FAA] =	sst s7  }
0x10: {  	[smem:$0x3FAB] =	sst s8  }
0x11: {  	[smem:$0x3FAC] =	sst s9;
	s0 =	simm.s32 @!p0 $0x0  }
0x12: {  	s1 =	sld [smem:$0x3F92];
	s0 =	simm.s32 @p0 $0x1  }
0x13: {  	[smem:$0x3FAD] =	sst s0;
	s0 =	simm.s32 @!p1 $0x0  }
0x14: {  	s2 =	sld [smem:$0x3F91];
	s0 =	simm.s32 @p1 $0x1  }
0x15: {  	[smem:$0x3FAE] =	sst s0;
	s0 =	simm.s32 @!p2 $0x0  }
0x16: {  	s3 =	sld [smem:$0x3FDB];
	s0 =	simm.s32 @p2 $0x1  }
0x17: {  	s4 =	simm.s32 $0x1BF5;
	[smem:$0x3FB0] =	sst s0  }
0x18: {  	s0 =	sld [smem:$0x3F93];
	_ =	swait.ge [sflag:s4], $0x0  }
0x19: {  	s7 =	sld [smem:$0x3F94]  }
0x1a: {  	s8 =	sadd.s32 $0xFFFFE003, lr  }
0x1b: {  	s9 =	sadd.s32 $0xFFFFFEF7, lr;
	s5 =	simm.s32 $0xFFFFFFFF;
	p2 =	slt.u32 s8, $0xFFFFF086  }
0x1c: {  	p1 =	slt.u32 s9, $0xF7A;
	s5 =	simm.s32 @!p2 $0x0  }
0x1d: {  	s5 =	simm.s32 @p1 $0x1;
	p0 =	seq.s32 s7, s2  }
0x1e: {  	s7 =	smul.u32 @!p0 $0xF7A, s2;
	p2 =	seq.s32 @!p0 s5, $0x0  }
0x1f: {  	s9 =	smul.u32 $0xF7A, s1;
	s8 =	simm.s32 @!p0 $0x1BF5;
	p2 =	por !p2, p0  }
0x20: {  	[sflag:s8] =	ssyncset.s32 @!p0 $0xFFFFF086;
	s6 =	sadd.s32 @!p0 s3, s7;
	s7 =	simm.s32 @!p0 $0x108  }
0x21: {  	s3 =	sadd.s32 s3, s9;
	s6 =	sadd.s32 @!p0 $0x88, s6;
	s7 =	simm.s32 @p2 $0x1082  }
0x22: {  	[simem:s7], [sflag:s8] =	dma.local @!p0 [hbm:s6], $0xF7A  }
0x23: {  	s9 =	sor.u32 $0xD0000000, s2;
	s6 =	simm.s32 $0x108;
	_ =	swait.ge @!p0 [sflag:s8], $0x0  }
0x24: {  	s3 =	sadd.s32 $0x88, s3;
	s6 =	simm.s32 @!p1 $0x1082;
	[sflag:s4] =	ssyncset.s32 $0xFFFFF086  }
0x25: {  	[simem:s6], [sflag:s4] =	dma.local [hbm:s3], $0xF7A  }
0x26: {  	[smem:$0x3F94] =	sst s1;
	(tag) =	ssettag s2;
	_ =	strace s9  }
0x27: {  	s1 =	sld [smem:$0x3FA4]  }
0x28: {  	s2 =	sld [smem:$0x3FA5]  }
0x29: {  	s4 =	sld [smem:$0x3FA7]  }
0x2a: {  	p0 =	seq.s32 s5, $0x0;
	s5 =	sld [smem:$0x3FA8]  }
0x2b: {  	s6 =	sld [smem:$0x3FA9]  }
0x2c: {  	s7 =	sld [smem:$0x3FAA]  }
0x2d: {  	s3 =	simm.s32 $0x108;
	s8 =	sld [smem:$0x3FAB]  }
0x2e: {  	s3 =	simm.s32 @!p0 $0x1082;
	s9 =	sld [smem:$0x3FAC]  }
0x2f: {  	lr =	sadd.s32 s0, s3;
	s0 =	sld [smem:$0x3FA3]  }
0x30: {  	s3 =	sld [smem:$0x3FA6]  }
0x31: {  	[smem:$0x3FAF] =	sst s10  }
0x32: {  	s10 =	sld [smem:$0x3FAD];
	_ =	sdelay $0x3  }
0x33: {  	p0 =	seq.s32 s10, $0x1;
	s10 =	sld [smem:$0x3FAF];
	_ =	sdelay $0x3  }
0x34: {  	[smem:$0x3FAF] =	sst s10  }
0x35: {  	s10 =	sld [smem:$0x3FAE];
	_ =	sdelay $0x3  }
0x36: {  	p1 =	seq.s32 s10, $0x1;
	s10 =	sld [smem:$0x3FAF];
	_ =	sdelay $0x3  }
0x37: {  	[smem:$0x3FAF] =	sst s10  }
0x38: {  	s10 =	sld [smem:$0x3FB0]  }
0x39: {  	_ = 	snop;
	(pc) =	sbr.ind lr, $3  }
0x3a: {  	_ = 	snop  }
0x3b: {  	_ = 	snop  }
0x3c: {  	p2 =	seq.s32 s10, $0x1;
	s10 =	sld [smem:$0x3FAF]  }
0x3d: {  	_ =	shalt  }
0x3e: {  	_ =	shalt  }
0x3f: {  	_ =	shalt  }
0x40: {  	_ =	shalt  }
0x41: {  	_ =	shalt  }
0x42: {  	_ =	shalt  }
0x43: {  	_ =	shalt  }
0x44: {  	_ =	shalt  }
0x45: {  	_ =	shalt  }
0x46: {  	_ =	shalt  }
0x47: {  	_ =	shalt  }
0x48: {  	_ =	shalt  }
0x49: {  	_ =	shalt  }
0x4a: {  	_ =	shalt  }
0x4b: {  	_ =	shalt  }
0x4c: {  	_ =	shalt  }
0x4d: {  	_ =	shalt  }
0x4e: {  	_ =	shalt  }
0x4f: {  	_ =	shalt  }
0x50: {  	_ =	shalt  }
0x51: {  	_ =	shalt  }
0x52: {  	_ =	shalt  }
0x53: {  	_ =	shalt  }
0x54: {  	_ =	shalt  }
0x55: {  	_ =	shalt  }
0x56: {  	_ =	shalt  }
0x57: {  	_ =	shalt  }
0x58: {  	_ =	shalt  }
0x59: {  	_ =	shalt  }
0x5a: {  	_ =	shalt  }
0x5b: {  	_ =	shalt  }
0x5c: {  	_ =	shalt  }
0x5d: {  	_ =	shalt  }
0x5e: {  	_ =	shalt  }
0x5f: {  	_ =	shalt  }
0x60: {  	_ =	shalt  }
0x61: {  	_ =	shalt  }
0x62: {  	_ =	shalt  }
0x63: {  	_ =	shalt  }
0x64: {  	_ =	shalt  }
0x65: {  	_ =	shalt  }
0x66: {  	_ =	shalt  }
0x67: {  	_ =	shalt  }
0x68: {  	_ =	shalt  }
0x69: {  	_ =	shalt  }
0x6a: {  	_ =	shalt  }
0x6b: {  	_ =	shalt  }
0x6c: {  	_ =	shalt  }
0x6d: {  	_ =	shalt  }
0x6e: {  	_ =	shalt  }
0x6f: {  	_ =	shalt  }
0x70: {  	_ =	shalt  }
0x71: {  	_ =	shalt  }
0x72: {  	_ =	shalt  }
0x73: {  	_ =	shalt  }
0x74: {  	_ =	shalt  }
0x75: {  	_ =	shalt  }
0x76: {  	_ =	shalt  }
0x77: {  	_ =	shalt  }
0x78: {  	_ =	shalt  }
0x79: {  	_ =	shalt  }
0x7a: {  	_ =	shalt  }
0x7b: {  	_ =	shalt  }
0x7c: {  	_ =	shalt  }
0x7d: {  	_ =	shalt  }
0x7e: {  	_ =	shalt  }
0x7f: {  	_ =	shalt  }
0x80: {  	_ =	shalt  }
0x81: {  	_ =	shalt  }
0x82: {  	_ =	shalt  }
0x83: {  	_ =	shalt  }
0x84: {  	_ =	shalt  }
0x85: {  	_ =	shalt  }
0x86: {  	_ =	shalt  }
0x87: {  	_ =	shalt  }
.Lfunc_end0:
.L_simem_size_0:
called_computation.1_lowered:
.L_overlay_start_0:
0x88: {  	s2 =	sld [smem:$0x3FD9]  }
0x89: {  	s3 =	sld [smem:$0x3FFE];
	_ =	sdelay $0x1  }
0x8a: {  	s1 =	srdreg.scid  }
0x8b: {  	s0 =	sand.u32 $0x1, s1  }
0x8c: {  	s16 =	sshll.u32 s0, $0xA;
	s2 =	sadd.s32 s3, s2  }
0x8d: {  	s2 =	sadd.s32 s2, s16  }
0x8e: {  	[smem:$0x3FBB] =	sst s2  }
0x8f: {  	_ = 	snop  }
0x90: {  	(tm) =	ssettm $0x1  }
0x91: {  	s17 =	sld [smem:$0x3FFB];
	_ =	sdelay $0x3  }
0x92: {  	_ =	strace s17  }
0x93: {  	s2 =	sld [smem:$0x3FFC];
	_ =	sdelay $0x3  }
0x94: {  	_ =	strace s2  }
0x95: {  	s2 =	sld [smem:$0x3FFD];
	_ =	sdelay $0x3  }
0x96: {  	_ =	strace s2  }
0x97: {  	_ =	strace $0x8FFFFFFF  }
0x98: {  	s18 =	sld [smem:$0x3FDB];
	_ =	sdelay $0x1  }
0x99: {  	s19 =	simm.s32 $_scs_section_size  }
0x9a: {  	s4 =	simm.s32 $_size__tile_overlayer_lowered;
	s5 =	simm.s32 $_tile_overlayer_lowered  }
0x9b: {  	s22 =	simm.s32 $0x1BFF;
	s21 =	sshll.u32 s5, $0x1;
	s2 =	sadd.s32 s19, s18  }
0x9c: {  	s6 =	simm.s32 $0x0;
	s20 =	sshll.u32 s4, $0x1;
	s4 =	sadd.s32 s21, s2  }
0x9d: {  	[timem:s6], [sflag:s22] =	dma.local [hbm:s4], s20  }
0x9e: {  	_ =	swait.ge [sflag:s22], s20  }
0x9f: {  	s3 =	ssub.s32 $0x0, s20;
	[sflag:s22] =	ssyncset.done $0x0  }
0xa0: {  	[sflag:s22] =	ssyncadd.s32 s3;
	_ =	sdelay $0x1  }
0xa1: {  	s23 =	simm.s32 $0x1B8B  }
0xa2: {  	_ =	swait.ge [sflag:s23], $0x1  }
0xa3: {  	[sflag:s23] =	ssyncset.done $0x0  }
0xa4: {  	s25 =	simm.s32 $0x1B8E;
	s24 =	sld [smem:$0x3FFE];
	[sflag:s23] =	ssyncadd.s32 $0xFFFFFFFF  }
0xa5: {  	s26 =	simm.s32 $execute0_lowered;
	[smem:$0x3FD2] =	sst s25  }
0xa6: {  	s4 =	sshll.u32 s26, $0x1;
	_ =	strace $0x80000049;
	[dreg:$0x1] =	wrdreg $0xFFFFFFFF  }
0xa7: {  	s28 =	simm.s32 $_size_execute0_lowered;
	s2 =	sadd.s32 s2, s4;
	[dreg:$0x0] =	wrdreg $0x0  }
0xa8: {  	s4 =	sshll.u32 s28, $0x1;
	[dreg:$0x2] =	wrdreg s2  }
0xa9: {  	[dreg:$0x3] =	wrdreg s4  }
0xaa: {  	[dreg:$0x4] =	wrdreg $0xC0  }
0xab: {  	_ =	task [dreg:s6], $0x5FFFF  }
0xac: {  	[dreg:$0x1] =	wrdreg $0xFFFFFFFF  }
0xad: {  	[dreg:$0x0] =	wrdreg $0x60  }
0xae: {  	[dreg:$0x2] =	wrdreg s24  }
0xaf: {  	[dreg:$0x3] =	wrdreg $0xDE000  }
0xb0: {  	[dreg:$0x4] =	wrdreg $0x9  }
0xb1: {  	_ =	task.clear_ibuf [dreg:s6], $0x5FFFF;
	_ =	strace $0x90000049  }
0xb2: {  	s29 =	simm.s32 $0x9;
	_ =	strace $0x8000004B  }
0xb3: {  	_ =	swait.ge [sflag:s29], $0x1  }
0xb4: {  	[sflag:s29] =	ssyncadd.s32 $0xFFFFFFFF  }
0xb5: {  	_ =	strace $0x9000004B  }
0xb6: {  	_ =	sfence  }
0xb7: {  	s30 =	sld [smem:$0x0];
	_ =	sdelay $0x2  }
0xb8: {  	s31 =	sshll.u32 s1, $0xD;
	s1 =	sshrl.u32 s1, $0x2  }
0xb9: {  	s3 =	sand.u32 $0x4000, s31;
	s1 =	sadd.s32 s1, s30  }
0xba: {  	s0 =	sor.u32 s3, s0;
	s1 =	sshll.u32 s1, $0x11  }
0xbb: {  	s0 =	sor.u32 s1, s0  }
0xbc: {  	s0 =	sadd.s32 $0x8F2B, s0  }
0xbd: {  	[sflag:s0] =	ssyncadd.remote.s32 $0x1  }
0xbe: {  	_ =	sfence.sel $0xFFFF  }
0xbf: {  	[dreg:$0x0] =	wrdreg $0xFFFFFFFF;
	(pc) =	sbr.abs _section_cstart, $3  }
0xc0: {  	[dreg:$0x1] =	wrdreg $0xFFFFFFFF  }
0xc1: {  	_ =	task.clear_ibuf [dreg:s6], $0x2FFFF;
	_ =	strace $0x9FFFFFFF  }
0xc2: {  	(tm) =	ssettm $0x7FFFFFFF  }
0xc3: {  	_ =	shalt  }
tec
execute0_lowered:
.L_overlay_start_1:
0x0: {  	(tag) =	ssettag $0x1  }
0x1: {  	s4 =	rddreg [dreg:$0x0];
	s0 =	stileid.u32  }
0x2: {  	s1 =	srdreg.scid;
	s2 =	rddreg [dreg:$0x1]  }
0x3: {  	s3 =	simm.s32 $0x0;
	s14 =	simm.s32 $0x80;
	s15 =	simm.s32 $0x9E00  }
0x4: {  	s16 =	simm.s32 $0xBE00;
	s17 =	simm.s32 $0x1;
	s18 =	simm.s32 $0x2  }
0x5: {  	s19 =	simm.s32 $0x4E80;
	s20 =	simm.s32 $0x9D00;
	s21 =	simm.s32 $0x9D80  }
0x6: {  	s5 =	sand.u32 $0x1, s1;
	s6 =	smul.u32 $0x14000, s0;
	s1 =	rddreg [dreg:$0x2]  }
0x7: {  	s22 =	simm.s32 $0x0;
	[smem:$0x7FF] =	sst s3;
	s8 =	smul.u32 $0x9E0, s0  }
0x8: {  	s10 =	sadd.s32 $0x2200, s4;
	s7 =	smul.u32 $0x140000, s5;
	s5 =	ssub.s32 $0x2, s5  }
0x9: {  	s31 =	sshll.u32 s0, $0x6;
	_ =	strace $0x8000004A;
	s30 =	sshrl.u32 s5, $0x1  }
0xa: {  	s8 =	sadd.s32 s8, s4;
	s9 =	sadd.s32 s6, s7;
	s12 =	ssub.s32 s5, s30  }
0xb: {  	s6 =	sshrl.u32 s6, $0x1;
	s5 =	sadd.s32 $0x2A200, s8;
	s7 =	sshrl.u32 s7, $0x4  }
0xc: {  	s9 =	sshrl.u32 s9, $0x4;
	s13 =	sadd.s32 s6, s2;
	s7 =	sadd.s32 s10, s7  }
0xd: {  	s11 =	sadd.s32 s9, s4;
	s4 =	sadd.s32 $0x34000, s8;
	s6 =	sadd.s32 s10, s9  }
0xe: {  	s9 =	smax.u32 s12, $0x1;
	s10 =	simm.s32 $0x3;
	s12 =	sor.u32 $0x1C03, s31  }
0xf: {  	s13 =	sshrl.u32 s13, $0x3;
	s8 =	sadd.s32 $0x3DE00, s11;
	s11 =	simm.s32 $0x4F00  }
.LBB2_1:
0x10: {  	[tilespmem:s3], [sflag:$0x3] =	stream.linear.gather [hbm4b:s4+s3], $0x4F00, $0x38;
	[tilespmem:$0x17E00] =	vst v63  }
0x11: {  	_ =	swait.ge [sflag:s10], $0x4F00  }
0x12: {  	[sflag:s10] =	ssyncset.done $0x0  }
0x13: {  	[sflag:s10] =	ssyncadd.s32 $0xFFFFB100  }
0x14: {  	[tilespmem:s11], [sflag:$0x3] =	stream.linear.gather [hbm4b:s5+s3], $0x4F00, $0x38;
	[tilespmem:$0x17E00] =	vst v63  }
0x15: {  	_ =	swait.ge [sflag:s10], $0x4F00  }
0x16: {  	[sflag:s10] =	ssyncset.done $0x0  }
0x17: {  	[sflag:s10] =	ssyncadd.s32 $0xFFFFB100  }
0x18: {  	[spmem:s13], [sflag:s12] =	dma.local [hbm:s6], $0x1400  }
0x19: {  	_ =	swait.ge [sflag:s10], $0x1400  }
0x1a: {  	[sflag:s10] =	ssyncset.done $0x0  }
0x1b: {  	[sflag:s10] =	ssyncadd.s32 $0xFFFFEC00  }
0x1c: {  	[bflag:$0x0] =	sbarrier.arrive $0xFFFF  }
0x1d: {  	[tilespmem:s15], [sflag:$0x1] =	stream.indirect.gather [hbm4b:s7+s14], $0x40, s3, s14, $0xb8;
	[tilespmem:$0x17E00] =	vst v63  }
0x1e: {  	s23 =	simm.s32 $0x80  }
0x1f: {  	[tilespmem:s16], [sflag:$0x2] =	stream.indirect.gather [hbm4b:s7+s14], $0x40, s23, s14, $0xb8;
	[tilespmem:$0x17E00] =	vst v63  }
0x20: {  	_ =	swait.ge [sflag:s17], $0x2000  }
0x21: {  	[sflag:s17] =	ssyncset.done $0x0  }
0x22: {  	s29 =	simm.s32 $0x4F00;
	[sflag:s17] =	ssyncadd.s32 $0xFFFFE000  }
0x23: {  	[spmem:s2] =	stream.indirect.scatter.add.bf16 [tilespmem:s15], [sflag:$0x3], $0x40, s29, s14, $0xb8;
	[tilespmem:$0x17E00] =	vst v63  }
0x24: {  	_ =	swait.ge [sflag:s10], $0x2000  }
0x25: {  	[sflag:s10] =	ssyncset.done $0x0  }
0x26: {  	s30 =	simm.s32 $0x100;
	[sflag:s10] =	ssyncadd.s32 $0xFFFFE000  }
0x27: {  	[tilespmem:s15], [sflag:$0x1] =	stream.indirect.gather [hbm4b:s7+s14], $0x40, s30, s14, $0xb8;
	[tilespmem:$0x17E00] =	vst v63  }
0x28: {  	_ =	swait.ge [sflag:s18], $0x2000  }
0x29: {  	[sflag:s18] =	ssyncset.done $0x0  }
0x2a: {  	s31 =	simm.s32 $0x4F80;
	[sflag:s18] =	ssyncadd.s32 $0xFFFFE000  }
0x2b: {  	[spmem:s2] =	stream.indirect.scatter.add.bf16 [tilespmem:s16], [sflag:$0x3], $0x40, s31, s14, $0xb8;
	[tilespmem:$0x17E00] =	vst v63  }
0x2c: {  	_ =	swait.ge [sflag:s10], $0x2000  }
0x2d: {  	s24 =	simm.s32 $0x800;
	s23 =	simm.s32 $0x100;
	[sflag:s10] =	ssyncset.done $0x0  }
.LBB2_2:
0x2e: {  	s25 =	sadd.s32 $0x80, s23  }
0x2f: {  	[sflag:s10] =	ssyncadd.s32 $0xFFFFE000;
	s26 =	smov.u32 s24;
	s28 =	sadd.s32 $0x400, s24  }
0x30: {  	[tilespmem:s16], [sflag:$0x2] =	stream.indirect.gather [hbm4b:s7+s14], $0x40, s25, s14, $0xb8;
	[tilespmem:$0x17E00] =	vst v63  }
0x31: {  	p0 =	sne.s32 s24, $0x13400;
	_ =	swait.ge [sflag:s17], $0x2000  }
0x32: {  	[sflag:s17] =	ssyncset.done $0x0  }
0x33: {  	s24 =	sadd.s32 $0x4F00, s23;
	[sflag:s17] =	ssyncadd.s32 $0xFFFFE000  }
0x34: {  	[spmem:s2] =	stream.indirect.scatter.add.bf16 [tilespmem:s15], [sflag:$0x3], $0x40, s24, s14, $0xb8;
	[tilespmem:$0x17E00] =	vst v63  }
0x35: {  	_ =	swait.ge [sflag:s10], $0x2000  }
0x36: {  	[sflag:s10] =	ssyncset.done $0x0  }
0x37: {  	s24 =	sadd.s32 $0x100, s23;
	[sflag:s10] =	ssyncadd.s32 $0xFFFFE000  }
0x38: {  	[tilespmem:s15], [sflag:$0x1] =	stream.indirect.gather [hbm4b:s7+s14], $0x40, s24, s14, $0xb8;
	[tilespmem:$0x17E00] =	vst v63  }
0x39: {  	_ =	swait.ge [sflag:s18], $0x2000  }
.Ltmp0:
0x3a: {  	[sflag:s18] =	ssyncset.done $0x0;
	(pc) =	sbr.rel @p0 .LBB2_2-.Ltmp0, $4  }
0x3b: {  	s23 =	sadd.s32 $0x4F80, s23;
	[sflag:s18] =	ssyncadd.s32 $0xFFFFE000  }
0x3c: {  	[spmem:s2] =	stream.indirect.scatter.add.bf16 [tilespmem:s16], [sflag:$0x3], $0x40, s23, s14, $0xb8;
	[tilespmem:$0x17E00] =	vst v63  }
0x3d: {  	_ =	swait.ge [sflag:s10], $0x2000  }
0x3e: {  	s24 =	smov.u32 s28;
	s23 =	sshra.s32 s26, $0x2;
	[sflag:s10] =	ssyncset.done $0x0  }
0x3f: {  	s24 =	sadd.s32 $0x80, s23;
	[sflag:s10] =	ssyncadd.s32 $0xFFFFE000  }
0x40: {  	[tilespmem:s16], [sflag:$0x2] =	stream.indirect.gather [hbm4b:s7+s14], $0x40, s24, s14, $0xb8;
	[tilespmem:$0x17E00] =	vst v63  }
0x41: {  	_ =	swait.ge [sflag:s17], $0x2000  }
0x42: {  	[sflag:s17] =	ssyncset.done $0x0  }
0x43: {  	s29 =	sadd.s32 $0x4F00, s23;
	[sflag:s17] =	ssyncadd.s32 $0xFFFFE000  }
0x44: {  	[spmem:s2] =	stream.indirect.scatter.add.bf16 [tilespmem:s15], [sflag:$0x3], $0x40, s29, s14, $0xb8;
	[tilespmem:$0x17E00] =	vst v63  }
0x45: {  	_ =	swait.ge [sflag:s10], $0x2000  }
0x46: {  	[sflag:s10] =	ssyncset.done $0x0  }
0x47: {  	s30 =	sadd.s32 $0x100, s23;
	[sflag:s10] =	ssyncadd.s32 $0xFFFFE000  }
0x48: {  	[tilespmem:s15], [sflag:$0x1] =	stream.indirect.gather [hbm4b:s7+s14], $0x40, s30, s14, $0xb8;
	[tilespmem:$0x17E00] =	vst v63  }
0x49: {  	_ =	swait.ge [sflag:s18], $0x2000  }
0x4a: {  	[sflag:s18] =	ssyncset.done $0x0  }
0x4b: {  	s31 =	sadd.s32 $0x4F80, s23;
	[sflag:s18] =	ssyncadd.s32 $0xFFFFE000  }
0x4c: {  	[spmem:s2] =	stream.indirect.scatter.add.bf16 [tilespmem:s16], [sflag:$0x3], $0x40, s31, s14, $0xb8;
	[tilespmem:$0x17E00] =	vst v63  }
0x4d: {  	_ =	swait.ge [sflag:s10], $0x2000  }
0x4e: {  	[sflag:s10] =	ssyncset.done $0x0  }
0x4f: {  	[sflag:s10] =	ssyncadd.s32 $0xFFFFE000  }
0x50: {  	[tilespmem:s16], [sflag:$0x2] =	stream.indirect.gather [hbm4b:s7+s14], $0x40, s19, s14, $0xb8;
	[tilespmem:$0x17E00] =	vst v63  }
0x51: {  	_ =	swait.ge [sflag:s17], $0x2000  }
0x52: {  	[sflag:s17] =	ssyncset.done $0x0  }
0x53: {  	[sflag:s17] =	ssyncadd.s32 $0xFFFFE000  }
0x54: {  	[spmem:s2] =	stream.indirect.scatter.add.bf16 [tilespmem:s15], [sflag:$0x3], $0x40, s20, s14, $0xb8;
	[tilespmem:$0x17E00] =	vst v63  }
0x55: {  	_ =	swait.ge [sflag:s10], $0x2000  }
0x56: {  	[sflag:s10] =	ssyncset.done $0x0  }
0x57: {  	[sflag:s10] =	ssyncadd.s32 $0xFFFFE000  }
0x58: {  	[tilespmem:s15], [sflag:$0x1] =	stream.indirect.gather [hbm4b:s7+s14], $0x40, s3, s14, $0xb8;
	[tilespmem:$0x17E00] =	vst v63  }
0x59: {  	_ =	swait.ge [sflag:s18], $0x2000  }
0x5a: {  	[sflag:s18] =	ssyncset.done $0x0  }
0x5b: {  	[sflag:s18] =	ssyncadd.s32 $0xFFFFE000  }
0x5c: {  	[spmem:s2] =	stream.indirect.scatter.add.bf16 [tilespmem:s16], [sflag:$0x3], $0x40, s21, s14, $0xb8;
	[tilespmem:$0x17E00] =	vst v63  }
0x5d: {  	_ =	swait.ge [sflag:s10], $0x2000  }
0x5e: {  	[sflag:s10] =	ssyncset.done $0x0  }
0x5f: {  	[sflag:s10] =	ssyncadd.s32 $0xFFFFE000  }
0x60: {  	_ =	swait.ge [sflag:s17], $0x2000  }
0x61: {  	s22 =	sadd.s32 $0x1, s22;
	[sflag:s17] =	ssyncset.done $0x0  }
0x62: {  	p0 =	sne.s32 s22, s9;
	[sflag:s17] =	ssyncadd.s32 $0xFFFFE000  }
.Ltmp1:
0x63: {  	[bflag:$0x0] =	sbarrier.arrive $0xFFFF;
	(pc) =	sbr.rel @p0 .LBB2_1-.Ltmp1, $4  }
0x64: {  	[hbm:s8], [sflag:s12] =	dma.local [spmem:s13], $0x1400  }
0x65: {  	_ =	swait.ge [sflag:s10], $0x1400  }
0x66: {  	[sflag:s10] =	ssyncset.done $0x0  }
0x67: {  	[sflag:s10] =	ssyncadd.s32 $0xFFFFEC00  }
0x68: {  	_ =	sfence.sel $0x180000  }
0x69: {  	[bflag:$0x0] =	sbarrier.arrive $0xFFFF  }
0x6a: {  	p0 =	sne.s32 s0, $0x0;
	_ =	strace $0x9000004A  }
0x6b: {  	s0 =	sadd.s32 @!p0 $0x100000, s1;
	[bflag:$0x2] =	sbarrier.arrive $0xFFFF  }
0x6c: {  	[sflag:s0] =	ssyncadd.tile.s32 @!p0 $0x1;
	_ =	shalt  }
.Lfunc_end2:
_tile_overlayer_lowered:
.L_overlay_start_2:
0x6d: {  	(tag) =	ssettag $0x2  }
0x6e: {  	s0 =	rddreg [dreg:$0x0];
	s2 =	stileid.u32  }
0x6f: {  	s1 =	rddreg [dreg:$0x1];
	p0 =	sne.s32 s2, $0x0  }
0x70: {  	s3 =	rddreg [dreg:$0x2];
	[bflag:$0x3] =	sbarrier.arrive $0xFFFF;
	s2 =	simm.s32 @!p0 $0x1C03  }
0x71: {  	[timem:s3], [sflag:s2] =	dma.local @!p0 [hbm:s0], s1  }
0x72: {  	s0 =	simm.s32 @!p0 $0x3  }
0x73: {  	_ =	swait.ge @!p0 [sflag:s0], s1  }
0x74: {  	s1 =	ssub.s32 @!p0 $0x0, s1;
	[sflag:s0] =	ssyncset.done @!p0 $0x0  }
0x75: {  	[sflag:s0] =	ssyncadd.s32 @!p0 s1  }
0x76: {  	[bflag:$0x3] =	sbarrier.arrive $0xFFFF  }
0x77: {  	_ =	shalt  }

// kernel: kernel.15.cloned.1.call-start
scs
__scs_entry_jumppad:
0x0: {  	(pc) =	sbr.rel $0x88, $3  }
0x1: {  	(tag) =	ssettag $0x0;
	lr =	simm.s32 $0x1  }
0x2: {  	[smem:$0x3F94] =	sst lr;
	_ =	strace $0xD0000000  }
0x3: {  	_ = 	snop  }
0x4: {  	_ = 	snop  }
0x5: {  	_ = 	snop  }
0x6: {  	_ = 	snop  }
0x7: {  	_ = 	snop  }
__scs_overlays_trampoline_lowered:
0x8: {  	[smem:$0x3FA3] =	sst s0  }
0x9: {  	[smem:$0x3FA4] =	sst s1  }
0xa: {  	[smem:$0x3FA5] =	sst s2  }
0xb: {  	[smem:$0x3FA6] =	sst s3  }
0xc: {  	[smem:$0x3FA7] =	sst s4  }
0xd: {  	[smem:$0x3FA8] =	sst s5  }
0xe: {  	[smem:$0x3FA9] =	sst s6  }
0xf: {  	[smem:$0x3FAA] =	sst s7  }
0x10: {  	[smem:$0x3FAB] =	sst s8  }
0x11: {  	[smem:$0x3FAC] =	sst s9;
	s0 =	simm.s32 @!p0 $0x0  }
0x12: {  	s1 =	sld [smem:$0x3F92];
	s0 =	simm.s32 @p0 $0x1  }
0x13: {  	[smem:$0x3FAD] =	sst s0;
	s0 =	simm.s32 @!p1 $0x0  }
0x14: {  	s2 =	sld [smem:$0x3F91];
	s0 =	simm.s32 @p1 $0x1  }
0x15: {  	[smem:$0x3FAE] =	sst s0;
	s0 =	simm.s32 @!p2 $0x0  }
0x16: {  	s3 =	sld [smem:$0x3FDB];
	s0 =	simm.s32 @p2 $0x1  }
0x17: {  	s4 =	simm.s32 $0x1BF5;
	[smem:$0x3FB0] =	sst s0  }
0x18: {  	s0 =	sld [smem:$0x3F93];
	_ =	swait.ge [sflag:s4], $0x0  }
0x19: {  	s7 =	sld [smem:$0x3F94]  }
0x1a: {  	s8 =	sadd.s32 $0xFFFFE003, lr  }
0x1b: {  	s9 =	sadd.s32 $0xFFFFFEF7, lr;
	s5 =	simm.s32 $0xFFFFFFFF;
	p2 =	slt.u32 s8, $0xFFFFF086  }
0x1c: {  	p1 =	slt.u32 s9, $0xF7A;
	s5 =	simm.s32 @!p2 $0x0  }
0x1d: {  	s5 =	simm.s32 @p1 $0x1;
	p0 =	seq.s32 s7, s2  }
0x1e: {  	s7 =	smul.u32 @!p0 $0xF7A, s2;
	p2 =	seq.s32 @!p0 s5, $0x0  }
0x1f: {  	s9 =	smul.u32 $0xF7A, s1;
	s8 =	simm.s32 @!p0 $0x1BF5;
	p2 =	por !p2, p0  }
0x20: {  	[sflag:s8] =	ssyncset.s32 @!p0 $0xFFFFF086;
	s6 =	sadd.s32 @!p0 s3, s7;
	s7 =	simm.s32 @!p0 $0x108  }
0x21: {  	s3 =	sadd.s32 s3, s9;
	s6 =	sadd.s32 @!p0 $0x88, s6;
	s7 =	simm.s32 @p2 $0x1082  }
0x22: {  	[simem:s7], [sflag:s8] =	dma.local @!p0 [hbm:s6], $0xF7A  }
0x23: {  	s9 =	sor.u32 $0xD0000000, s2;
	s6 =	simm.s32 $0x108;
	_ =	swait.ge @!p0 [sflag:s8], $0x0  }
0x24: {  	s3 =	sadd.s32 $0x88, s3;
	s6 =	simm.s32 @!p1 $0x1082;
	[sflag:s4] =	ssyncset.s32 $0xFFFFF086  }
0x25: {  	[simem:s6], [sflag:s4] =	dma.local [hbm:s3], $0xF7A  }
0x26: {  	[smem:$0x3F94] =	sst s1;
	(tag) =	ssettag s2;
	_ =	strace s9  }
0x27: {  	s1 =	sld [smem:$0x3FA4]  }
0x28: {  	s2 =	sld [smem:$0x3FA5]  }
0x29: {  	s4 =	sld [smem:$0x3FA7]  }
0x2a: {  	p0 =	seq.s32 s5, $0x0;
	s5 =	sld [smem:$0x3FA8]  }
0x2b: {  	s6 =	sld [smem:$0x3FA9]  }
0x2c: {  	s7 =	sld [smem:$0x3FAA]  }
0x2d: {  	s3 =	simm.s32 $0x108;
	s8 =	sld [smem:$0x3FAB]  }
0x2e: {  	s3 =	simm.s32 @!p0 $0x1082;
	s9 =	sld [smem:$0x3FAC]  }
0x2f: {  	lr =	sadd.s32 s0, s3;
	s0 =	sld [smem:$0x3FA3]  }
0x30: {  	s3 =	sld [smem:$0x3FA6]  }
0x31: {  	[smem:$0x3FAF] =	sst s10  }
0x32: {  	s10 =	sld [smem:$0x3FAD];
	_ =	sdelay $0x3  }
0x33: {  	p0 =	seq.s32 s10, $0x1;
	s10 =	sld [smem:$0x3FAF];
	_ =	sdelay $0x3  }
0x34: {  	[smem:$0x3FAF] =	sst s10  }
0x35: {  	s10 =	sld [smem:$0x3FAE];
	_ =	sdelay $0x3  }
0x36: {  	p1 =	seq.s32 s10, $0x1;
	s10 =	sld [smem:$0x3FAF];
	_ =	sdelay $0x3  }
0x37: {  	[smem:$0x3FAF] =	sst s10  }
0x38: {  	s10 =	sld [smem:$0x3FB0]  }
0x39: {  	_ = 	snop;
	(pc) =	sbr.ind lr, $3  }
0x3a: {  	_ = 	snop  }
0x3b: {  	_ = 	snop  }
0x3c: {  	p2 =	seq.s32 s10, $0x1;
	s10 =	sld [smem:$0x3FAF]  }
0x3d: {  	_ =	shalt  }
0x3e: {  	_ =	shalt  }
0x3f: {  	_ =	shalt  }
0x40: {  	_ =	shalt  }
0x41: {  	_ =	shalt  }
0x42: {  	_ =	shalt  }
0x43: {  	_ =	shalt  }
0x44: {  	_ =	shalt  }
0x45: {  	_ =	shalt  }
0x46: {  	_ =	shalt  }
0x47: {  	_ =	shalt  }
0x48: {  	_ =	shalt  }
0x49: {  	_ =	shalt  }
0x4a: {  	_ =	shalt  }
0x4b: {  	_ =	shalt  }
0x4c: {  	_ =	shalt  }
0x4d: {  	_ =	shalt  }
0x4e: {  	_ =	shalt  }
0x4f: {  	_ =	shalt  }
0x50: {  	_ =	shalt  }
0x51: {  	_ =	shalt  }
0x52: {  	_ =	shalt  }
0x53: {  	_ =	shalt  }
0x54: {  	_ =	shalt  }
0x55: {  	_ =	shalt  }
0x56: {  	_ =	shalt  }
0x57: {  	_ =	shalt  }
0x58: {  	_ =	shalt  }
0x59: {  	_ =	shalt  }
0x5a: {  	_ =	shalt  }
0x5b: {  	_ =	shalt  }
0x5c: {  	_ =	shalt  }
0x5d: {  	_ =	shalt  }
0x5e: {  	_ =	shalt  }
0x5f: {  	_ =	shalt  }
0x60: {  	_ =	shalt  }
0x61: {  	_ =	shalt  }
0x62: {  	_ =	shalt  }
0x63: {  	_ =	shalt  }
0x64: {  	_ =	shalt  }
0x65: {  	_ =	shalt  }
0x66: {  	_ =	shalt  }
0x67: {  	_ =	shalt  }
0x68: {  	_ =	shalt  }
0x69: {  	_ =	shalt  }
0x6a: {  	_ =	shalt  }
0x6b: {  	_ =	shalt  }
0x6c: {  	_ =	shalt  }
0x6d: {  	_ =	shalt  }
0x6e: {  	_ =	shalt  }
0x6f: {  	_ =	shalt  }
0x70: {  	_ =	shalt  }
0x71: {  	_ =	shalt  }
0x72: {  	_ =	shalt  }
0x73: {  	_ =	shalt  }
0x74: {  	_ =	shalt  }
0x75: {  	_ =	shalt  }
0x76: {  	_ =	shalt  }
0x77: {  	_ =	shalt  }
0x78: {  	_ =	shalt  }
0x79: {  	_ =	shalt  }
0x7a: {  	_ =	shalt  }
0x7b: {  	_ =	shalt  }
0x7c: {  	_ =	shalt  }
0x7d: {  	_ =	shalt  }
0x7e: {  	_ =	shalt  }
0x7f: {  	_ =	shalt  }
0x80: {  	_ =	shalt  }
0x81: {  	_ =	shalt  }
0x82: {  	_ =	shalt  }
0x83: {  	_ =	shalt  }
0x84: {  	_ =	shalt  }
0x85: {  	_ =	shalt  }
0x86: {  	_ =	shalt  }
0x87: {  	_ =	shalt  }
.Lfunc_end0:
.L_simem_size_0:
called_computation.2_lowered:
.L_overlay_start_0:
0x88: {  	s2 =	sld [smem:$0x3FD9]  }
0x89: {  	s3 =	sld [smem:$0x3FFE];
	_ =	sdelay $0x1  }
0x8a: {  	s1 =	srdreg.scid  }
0x8b: {  	s0 =	sand.u32 $0x1, s1  }
0x8c: {  	s16 =	sshll.u32 s0, $0xA;
	s2 =	sadd.s32 s3, s2  }
0x8d: {  	s2 =	sadd.s32 s2, s16  }
0x8e: {  	[smem:$0x3FBB] =	sst s2  }
0x8f: {  	_ = 	snop  }
0x90: {  	(tm) =	ssettm $0x1  }
0x91: {  	s17 =	sld [smem:$0x3FFB];
	_ =	sdelay $0x3  }
0x92: {  	_ =	strace s17  }
0x93: {  	s2 =	sld [smem:$0x3FFC];
	_ =	sdelay $0x3  }
0x94: {  	_ =	strace s2  }
0x95: {  	s2 =	sld [smem:$0x3FFD];
	_ =	sdelay $0x3  }
0x96: {  	_ =	strace s2  }
0x97: {  	_ =	strace $0x8FFFFFFF  }
0x98: {  	s18 =	sld [smem:$0x3FDB];
	_ =	sdelay $0x1  }
0x99: {  	s19 =	simm.s32 $_scs_section_size  }
0x9a: {  	s4 =	simm.s32 $_size__tile_overlayer_lowered;
	s5 =	simm.s32 $_tile_overlayer_lowered  }
0x9b: {  	s22 =	simm.s32 $0x1BFF;
	s21 =	sshll.u32 s5, $0x1;
	s2 =	sadd.s32 s19, s18  }
0x9c: {  	s6 =	simm.s32 $0x0;
	s20 =	sshll.u32 s4, $0x1;
	s4 =	sadd.s32 s21, s2  }
0x9d: {  	[timem:s6], [sflag:s22] =	dma.local [hbm:s4], s20  }
0x9e: {  	_ =	swait.ge [sflag:s22], s20  }
0x9f: {  	s3 =	ssub.s32 $0x0, s20;
	[sflag:s22] =	ssyncset.done $0x0  }
0xa0: {  	[sflag:s22] =	ssyncadd.s32 s3;
	_ =	sdelay $0x1  }
0xa1: {  	s23 =	simm.s32 $0x1B8B  }
0xa2: {  	_ =	swait.ge [sflag:s23], $0x1  }
0xa3: {  	[sflag:s23] =	ssyncset.done $0x0  }
0xa4: {  	s25 =	simm.s32 $0x1B8E;
	s24 =	sld [smem:$0x3FFE];
	[sflag:s23] =	ssyncadd.s32 $0xFFFFFFFF  }
0xa5: {  	s26 =	simm.s32 $execute0_lowered;
	[smem:$0x3FD2] =	sst s25  }
0xa6: {  	s4 =	sshll.u32 s26, $0x1;
	_ =	strace $0x8000004C;
	[dreg:$0x1] =	wrdreg $0xFFFFFFFF  }
0xa7: {  	s28 =	simm.s32 $_size_execute0_lowered;
	s2 =	sadd.s32 s2, s4;
	[dreg:$0x0] =	wrdreg $0x0  }
0xa8: {  	s4 =	sshll.u32 s28, $0x1;
	[dreg:$0x2] =	wrdreg s2  }
0xa9: {  	[dreg:$0x3] =	wrdreg s4  }
0xaa: {  	[dreg:$0x4] =	wrdreg $0xC0  }
0xab: {  	_ =	task [dreg:s6], $0x5FFFF  }
0xac: {  	[dreg:$0x1] =	wrdreg $0xFFFFFFFF  }
0xad: {  	[dreg:$0x0] =	wrdreg $0x60  }
0xae: {  	[dreg:$0x2] =	wrdreg s24  }
0xaf: {  	[dreg:$0x3] =	wrdreg $0xDE000  }
0xb0: {  	[dreg:$0x4] =	wrdreg $0x9  }
0xb1: {  	_ =	task.clear_ibuf [dreg:s6], $0x5FFFF;
	_ =	strace $0x9000004C  }
0xb2: {  	s29 =	simm.s32 $0x9;
	_ =	strace $0x8000004E  }
0xb3: {  	_ =	swait.ge [sflag:s29], $0x1  }
0xb4: {  	[sflag:s29] =	ssyncadd.s32 $0xFFFFFFFF  }
0xb5: {  	_ =	strace $0x9000004E  }
0xb6: {  	_ =	sfence  }
0xb7: {  	s30 =	sld [smem:$0x0];
	_ =	sdelay $0x2  }
0xb8: {  	s31 =	sshll.u32 s1, $0xD;
	s1 =	sshrl.u32 s1, $0x2  }
0xb9: {  	s3 =	sand.u32 $0x4000, s31;
	s1 =	sadd.s32 s1, s30  }
0xba: {  	s0 =	sor.u32 s3, s0;
	s1 =	sshll.u32 s1, $0x11  }
0xbb: {  	s0 =	sor.u32 s1, s0  }
0xbc: {  	s0 =	sadd.s32 $0x8F2B, s0  }
0xbd: {  	[sflag:s0] =	ssyncadd.remote.s32 $0x1  }
0xbe: {  	_ =	sfence.sel $0xFFFF  }
0xbf: {  	[dreg:$0x0] =	wrdreg $0xFFFFFFFF;
	(pc) =	sbr.abs _section_cstart, $3  }
0xc0: {  	[dreg:$0x1] =	wrdreg $0xFFFFFFFF  }
0xc1: {  	_ =	task.clear_ibuf [dreg:s6], $0x2FFFF;
	_ =	strace $0x9FFFFFFF  }
0xc2: {  	(tm) =	ssettm $0x7FFFFFFF  }
0xc3: {  	_ =	shalt  }
tec
execute0_lowered:
.L_overlay_start_1:
0x0: {  	(tag) =	ssettag $0x1  }
0x1: {  	s4 =	rddreg [dreg:$0x0];
	s0 =	stileid.u32  }
0x2: {  	s1 =	srdreg.scid;
	s2 =	rddreg [dreg:$0x1]  }
0x3: {  	s3 =	simm.s32 $0x0;
	s14 =	simm.s32 $0x80;
	s15 =	simm.s32 $0x9E00  }
0x4: {  	s16 =	simm.s32 $0xBE00;
	s17 =	simm.s32 $0x1;
	s18 =	simm.s32 $0x2  }
0x5: {  	s19 =	simm.s32 $0x4E80;
	s20 =	simm.s32 $0x9D00;
	s21 =	simm.s32 $0x9D80  }
0x6: {  	s5 =	sand.u32 $0x1, s1;
	s6 =	smul.u32 $0x14000, s0;
	s1 =	rddreg [dreg:$0x2]  }
0x7: {  	s22 =	simm.s32 $0x0;
	[smem:$0x7FF] =	sst s3;
	s8 =	smul.u32 $0x9E0, s0  }
0x8: {  	s10 =	sadd.s32 $0x2200, s4;
	s7 =	smul.u32 $0x140000, s5;
	s5 =	ssub.s32 $0x2, s5  }
0x9: {  	s31 =	sshll.u32 s0, $0x6;
	_ =	strace $0x8000004D;
	s30 =	sshrl.u32 s5, $0x1  }
0xa: {  	s8 =	sadd.s32 s8, s4;
	s9 =	sadd.s32 s6, s7;
	s12 =	ssub.s32 s5, s30  }
0xb: {  	s6 =	sshrl.u32 s6, $0x1;
	s5 =	sadd.s32 $0x2A200, s8;
	s7 =	sshrl.u32 s7, $0x4  }
0xc: {  	s9 =	sshrl.u32 s9, $0x4;
	s13 =	sadd.s32 s6, s2;
	s7 =	sadd.s32 s10, s7  }
0xd: {  	s11 =	sadd.s32 s9, s4;
	s4 =	sadd.s32 $0x34000, s8;
	s6 =	sadd.s32 s10, s9  }
0xe: {  	s9 =	smax.u32 s12, $0x1;
	s10 =	simm.s32 $0x3;
	s12 =	sor.u32 $0x1C03, s31  }
0xf: {  	s13 =	sshrl.u32 s13, $0x3;
	s8 =	sadd.s32 $0x3DE00, s11;
	s11 =	simm.s32 $0x4F00  }
.LBB2_1:
0x10: {  	[tilespmem:s3], [sflag:$0x3] =	stream.linear.gather [hbm4b:s4+s3], $0x4F00, $0x38;
	[tilespmem:$0x17E00] =	vst v63  }
0x11: {  	_ =	swait.ge [sflag:s10], $0x4F00  }
0x12: {  	[sflag:s10] =	ssyncset.done $0x0  }
0x13: {  	[sflag:s10] =	ssyncadd.s32 $0xFFFFB100  }
0x14: {  	[tilespmem:s11], [sflag:$0x3] =	stream.linear.gather [hbm4b:s5+s3], $0x4F00, $0x38;
	[tilespmem:$0x17E00] =	vst v63  }
0x15: {  	_ =	swait.ge [sflag:s10], $0x4F00  }
0x16: {  	[sflag:s10] =	ssyncset.done $0x0  }
0x17: {  	[sflag:s10] =	ssyncadd.s32 $0xFFFFB100  }
0x18: {  	[spmem:s13], [sflag:s12] =	dma.local [hbm:s6], $0x1400  }
0x19: {  	_ =	swait.ge [sflag:s10], $0x1400  }
0x1a: {  	[sflag:s10] =	ssyncset.done $0x0  }
0x1b: {  	[sflag:s10] =	ssyncadd.s32 $0xFFFFEC00  }
0x1c: {  	[bflag:$0x0] =	sbarrier.arrive $0xFFFF  }
0x1d: {  	[tilespmem:s15], [sflag:$0x1] =	stream.indirect.gather [hbm4b:s7+s14], $0x40, s3, s14, $0xb8;
	[tilespmem:$0x17E00] =	vst v63  }
0x1e: {  	s23 =	simm.s32 $0x80  }
0x1f: {  	[tilespmem:s16], [sflag:$0x2] =	stream.indirect.gather [hbm4b:s7+s14], $0x40, s23, s14, $0xb8;
	[tilespmem:$0x17E00] =	vst v63  }
0x20: {  	_ =	swait.ge [sflag:s17], $0x2000  }
0x21: {  	[sflag:s17] =	ssyncset.done $0x0  }
0x22: {  	s29 =	simm.s32 $0x4F00;
	[sflag:s17] =	ssyncadd.s32 $0xFFFFE000  }
0x23: {  	[spmem:s2] =	stream.indirect.scatter.add.bf16 [tilespmem:s15], [sflag:$0x3], $0x40, s29, s14, $0xb8;
	[tilespmem:$0x17E00] =	vst v63  }
0x24: {  	_ =	swait.ge [sflag:s10], $0x2000  }
0x25: {  	[sflag:s10] =	ssyncset.done $0x0  }
0x26: {  	s30 =	simm.s32 $0x100;
	[sflag:s10] =	ssyncadd.s32 $0xFFFFE000  }
0x27: {  	[tilespmem:s15], [sflag:$0x1] =	stream.indirect.gather [hbm4b:s7+s14], $0x40, s30, s14, $0xb8;
	[tilespmem:$0x17E00] =	vst v63  }
0x28: {  	_ =	swait.ge [sflag:s18], $0x2000  }
0x29: {  	[sflag:s18] =	ssyncset.done $0x0  }
0x2a: {  	s31 =	simm.s32 $0x4F80;
	[sflag:s18] =	ssyncadd.s32 $0xFFFFE000  }
0x2b: {  	[spmem:s2] =	stream.indirect.scatter.add.bf16 [tilespmem:s16], [sflag:$0x3], $0x40, s31, s14, $0xb8;
	[tilespmem:$0x17E00] =	vst v63  }
0x2c: {  	_ =	swait.ge [sflag:s10], $0x2000  }
0x2d: {  	s24 =	simm.s32 $0x800;
	s23 =	simm.s32 $0x100;
	[sflag:s10] =	ssyncset.done $0x0  }
.LBB2_2:
0x2e: {  	s25 =	sadd.s32 $0x80, s23  }
0x2f: {  	[sflag:s10] =	ssyncadd.s32 $0xFFFFE000;
	s26 =	smov.u32 s24;
	s28 =	sadd.s32 $0x400, s24  }
0x30: {  	[tilespmem:s16], [sflag:$0x2] =	stream.indirect.gather [hbm4b:s7+s14], $0x40, s25, s14, $0xb8;
	[tilespmem:$0x17E00] =	vst v63  }
0x31: {  	p0 =	sne.s32 s24, $0x13400;
	_ =	swait.ge [sflag:s17], $0x2000  }
0x32: {  	[sflag:s17] =	ssyncset.done $0x0  }
0x33: {  	s24 =	sadd.s32 $0x4F00, s23;
	[sflag:s17] =	ssyncadd.s32 $0xFFFFE000  }
0x34: {  	[spmem:s2] =	stream.indirect.scatter.add.bf16 [tilespmem:s15], [sflag:$0x3], $0x40, s24, s14, $0xb8;
	[tilespmem:$0x17E00] =	vst v63  }
0x35: {  	_ =	swait.ge [sflag:s10], $0x2000  }
0x36: {  	[sflag:s10] =	ssyncset.done $0x0  }
0x37: {  	s24 =	sadd.s32 $0x100, s23;
	[sflag:s10] =	ssyncadd.s32 $0xFFFFE000  }
0x38: {  	[tilespmem:s15], [sflag:$0x1] =	stream.indirect.gather [hbm4b:s7+s14], $0x40, s24, s14, $0xb8;
	[tilespmem:$0x17E00] =	vst v63  }
0x39: {  	_ =	swait.ge [sflag:s18], $0x2000  }
.Ltmp0:
0x3a: {  	[sflag:s18] =	ssyncset.done $0x0;
	(pc) =	sbr.rel @p0 .LBB2_2-.Ltmp0, $4  }
0x3b: {  	s23 =	sadd.s32 $0x4F80, s23;
	[sflag:s18] =	ssyncadd.s32 $0xFFFFE000  }
0x3c: {  	[spmem:s2] =	stream.indirect.scatter.add.bf16 [tilespmem:s16], [sflag:$0x3], $0x40, s23, s14, $0xb8;
	[tilespmem:$0x17E00] =	vst v63  }
0x3d: {  	_ =	swait.ge [sflag:s10], $0x2000  }
0x3e: {  	s24 =	smov.u32 s28;
	s23 =	sshra.s32 s26, $0x2;
	[sflag:s10] =	ssyncset.done $0x0  }
0x3f: {  	s24 =	sadd.s32 $0x80, s23;
	[sflag:s10] =	ssyncadd.s32 $0xFFFFE000  }
0x40: {  	[tilespmem:s16], [sflag:$0x2] =	stream.indirect.gather [hbm4b:s7+s14], $0x40, s24, s14, $0xb8;
	[tilespmem:$0x17E00] =	vst v63  }
0x41: {  	_ =	swait.ge [sflag:s17], $0x2000  }
0x42: {  	[sflag:s17] =	ssyncset.done $0x0  }
0x43: {  	s29 =	sadd.s32 $0x4F00, s23;
	[sflag:s17] =	ssyncadd.s32 $0xFFFFE000  }
0x44: {  	[spmem:s2] =	stream.indirect.scatter.add.bf16 [tilespmem:s15], [sflag:$0x3], $0x40, s29, s14, $0xb8;
	[tilespmem:$0x17E00] =	vst v63  }
0x45: {  	_ =	swait.ge [sflag:s10], $0x2000  }
0x46: {  	[sflag:s10] =	ssyncset.done $0x0  }
0x47: {  	s30 =	sadd.s32 $0x100, s23;
	[sflag:s10] =	ssyncadd.s32 $0xFFFFE000  }
0x48: {  	[tilespmem:s15], [sflag:$0x1] =	stream.indirect.gather [hbm4b:s7+s14], $0x40, s30, s14, $0xb8;
	[tilespmem:$0x17E00] =	vst v63  }
0x49: {  	_ =	swait.ge [sflag:s18], $0x2000  }
0x4a: {  	[sflag:s18] =	ssyncset.done $0x0  }
0x4b: {  	s31 =	sadd.s32 $0x4F80, s23;
	[sflag:s18] =	ssyncadd.s32 $0xFFFFE000  }
0x4c: {  	[spmem:s2] =	stream.indirect.scatter.add.bf16 [tilespmem:s16], [sflag:$0x3], $0x40, s31, s14, $0xb8;
	[tilespmem:$0x17E00] =	vst v63  }
0x4d: {  	_ =	swait.ge [sflag:s10], $0x2000  }
0x4e: {  	[sflag:s10] =	ssyncset.done $0x0  }
0x4f: {  	[sflag:s10] =	ssyncadd.s32 $0xFFFFE000  }
0x50: {  	[tilespmem:s16], [sflag:$0x2] =	stream.indirect.gather [hbm4b:s7+s14], $0x40, s19, s14, $0xb8;
	[tilespmem:$0x17E00] =	vst v63  }
0x51: {  	_ =	swait.ge [sflag:s17], $0x2000  }
0x52: {  	[sflag:s17] =	ssyncset.done $0x0  }
0x53: {  	[sflag:s17] =	ssyncadd.s32 $0xFFFFE000  }
0x54: {  	[spmem:s2] =	stream.indirect.scatter.add.bf16 [tilespmem:s15], [sflag:$0x3], $0x40, s20, s14, $0xb8;
	[tilespmem:$0x17E00] =	vst v63  }
0x55: {  	_ =	swait.ge [sflag:s10], $0x2000  }
0x56: {  	[sflag:s10] =	ssyncset.done $0x0  }
0x57: {  	[sflag:s10] =	ssyncadd.s32 $0xFFFFE000  }
0x58: {  	[tilespmem:s15], [sflag:$0x1] =	stream.indirect.gather [hbm4b:s7+s14], $0x40, s3, s14, $0xb8;
	[tilespmem:$0x17E00] =	vst v63  }
0x59: {  	_ =	swait.ge [sflag:s18], $0x2000  }
0x5a: {  	[sflag:s18] =	ssyncset.done $0x0  }
0x5b: {  	[sflag:s18] =	ssyncadd.s32 $0xFFFFE000  }
0x5c: {  	[spmem:s2] =	stream.indirect.scatter.add.bf16 [tilespmem:s16], [sflag:$0x3], $0x40, s21, s14, $0xb8;
	[tilespmem:$0x17E00] =	vst v63  }
0x5d: {  	_ =	swait.ge [sflag:s10], $0x2000  }
0x5e: {  	[sflag:s10] =	ssyncset.done $0x0  }
0x5f: {  	[sflag:s10] =	ssyncadd.s32 $0xFFFFE000  }
0x60: {  	_ =	swait.ge [sflag:s17], $0x2000  }
0x61: {  	s22 =	sadd.s32 $0x1, s22;
	[sflag:s17] =	ssyncset.done $0x0  }
0x62: {  	p0 =	sne.s32 s22, s9;
	[sflag:s17] =	ssyncadd.s32 $0xFFFFE000  }
.Ltmp1:
0x63: {  	[bflag:$0x0] =	sbarrier.arrive $0xFFFF;
	(pc) =	sbr.rel @p0 .LBB2_1-.Ltmp1, $4  }
0x64: {  	[hbm:s8], [sflag:s12] =	dma.local [spmem:s13], $0x1400  }
0x65: {  	_ =	swait.ge [sflag:s10], $0x1400  }
0x66: {  	[sflag:s10] =	ssyncset.done $0x0  }
0x67: {  	[sflag:s10] =	ssyncadd.s32 $0xFFFFEC00  }
0x68: {  	_ =	sfence.sel $0x180000  }
0x69: {  	[bflag:$0x0] =	sbarrier.arrive $0xFFFF  }
0x6a: {  	p0 =	sne.s32 s0, $0x0;
	_ =	strace $0x9000004D  }
0x6b: {  	s0 =	sadd.s32 @!p0 $0x100000, s1;
	[bflag:$0x2] =	sbarrier.arrive $0xFFFF  }
0x6c: {  	[sflag:s0] =	ssyncadd.tile.s32 @!p0 $0x1;
	_ =	shalt  }
.Lfunc_end2:
_tile_overlayer_lowered:
.L_overlay_start_2:
0x6d: {  	(tag) =	ssettag $0x2  }
0x6e: {  	s0 =	rddreg [dreg:$0x0];
	s2 =	stileid.u32  }
0x6f: {  	s1 =	rddreg [dreg:$0x1];
	p0 =	sne.s32 s2, $0x0  }
0x70: {  	s3 =	rddreg [dreg:$0x2];
	[bflag:$0x3] =	sbarrier.arrive $0xFFFF;
	s2 =	simm.s32 @!p0 $0x1C03  }
0x71: {  	[timem:s3], [sflag:s2] =	dma.local @!p0 [hbm:s0], s1  }
0x72: {  	s0 =	simm.s32 @!p0 $0x3  }
0x73: {  	_ =	swait.ge @!p0 [sflag:s0], s1  }
0x74: {  	s1 =	ssub.s32 @!p0 $0x0, s1;
	[sflag:s0] =	ssyncset.done @!p0 $0x0  }
0x75: {  	[sflag:s0] =	ssyncadd.s32 @!p0 s1  }
0x76: {  	[bflag:$0x3] =	sbarrier.arrive $0xFFFF  }
0x77: {  	_ =	shalt  }

// kernel: kernel.9.cloned.1.call-start
scs
__scs_entry_jumppad:
0x0: {  	(pc) =	sbr.rel $0x88, $3  }
0x1: {  	(tag) =	ssettag $0x0;
	lr =	simm.s32 $0x1  }
0x2: {  	[smem:$0x3F94] =	sst lr;
	_ =	strace $0xD0000000  }
0x3: {  	_ = 	snop  }
0x4: {  	_ = 	snop  }
0x5: {  	_ = 	snop  }
0x6: {  	_ = 	snop  }
0x7: {  	_ = 	snop  }
__scs_overlays_trampoline_lowered:
0x8: {  	[smem:$0x3FA3] =	sst s0  }
0x9: {  	[smem:$0x3FA4] =	sst s1  }
0xa: {  	[smem:$0x3FA5] =	sst s2  }
0xb: {  	[smem:$0x3FA6] =	sst s3  }
0xc: {  	[smem:$0x3FA7] =	sst s4  }
0xd: {  	[smem:$0x3FA8] =	sst s5  }
0xe: {  	[smem:$0x3FA9] =	sst s6  }
0xf: {  	[smem:$0x3FAA] =	sst s7  }
0x10: {  	[smem:$0x3FAB] =	sst s8  }
0x11: {  	[smem:$0x3FAC] =	sst s9;
	s0 =	simm.s32 @!p0 $0x0  }
0x12: {  	s1 =	sld [smem:$0x3F92];
	s0 =	simm.s32 @p0 $0x1  }
0x13: {  	[smem:$0x3FAD] =	sst s0;
	s0 =	simm.s32 @!p1 $0x0  }
0x14: {  	s2 =	sld [smem:$0x3F91];
	s0 =	simm.s32 @p1 $0x1  }
0x15: {  	[smem:$0x3FAE] =	sst s0;
	s0 =	simm.s32 @!p2 $0x0  }
0x16: {  	s3 =	sld [smem:$0x3FDB];
	s0 =	simm.s32 @p2 $0x1  }
0x17: {  	s4 =	simm.s32 $0x1BF5;
	[smem:$0x3FB0] =	sst s0  }
0x18: {  	s0 =	sld [smem:$0x3F93];
	_ =	swait.ge [sflag:s4], $0x0  }
0x19: {  	s7 =	sld [smem:$0x3F94]  }
0x1a: {  	s8 =	sadd.s32 $0xFFFFE003, lr  }
0x1b: {  	s9 =	sadd.s32 $0xFFFFFEF7, lr;
	s5 =	simm.s32 $0xFFFFFFFF;
	p2 =	slt.u32 s8, $0xFFFFF086  }
0x1c: {  	p1 =	slt.u32 s9, $0xF7A;
	s5 =	simm.s32 @!p2 $0x0  }
0x1d: {  	s5 =	simm.s32 @p1 $0x1;
	p0 =	seq.s32 s7, s2  }
0x1e: {  	s7 =	smul.u32 @!p0 $0xF7A, s2;
	p2 =	seq.s32 @!p0 s5, $0x0  }
0x1f: {  	s9 =	smul.u32 $0xF7A, s1;
	s8 =	simm.s32 @!p0 $0x1BF5;
	p2 =	por !p2, p0  }
0x20: {  	[sflag:s8] =	ssyncset.s32 @!p0 $0xFFFFF086;
	s6 =	sadd.s32 @!p0 s3, s7;
	s7 =	simm.s32 @!p0 $0x108  }
0x21: {  	s3 =	sadd.s32 s3, s9;
	s6 =	sadd.s32 @!p0 $0x88, s6;
	s7 =	simm.s32 @p2 $0x1082  }
0x22: {  	[simem:s7], [sflag:s8] =	dma.local @!p0 [hbm:s6], $0xF7A  }
0x23: {  	s9 =	sor.u32 $0xD0000000, s2;
	s6 =	simm.s32 $0x108;
	_ =	swait.ge @!p0 [sflag:s8], $0x0  }
0x24: {  	s3 =	sadd.s32 $0x88, s3;
	s6 =	simm.s32 @!p1 $0x1082;
	[sflag:s4] =	ssyncset.s32 $0xFFFFF086  }
0x25: {  	[simem:s6], [sflag:s4] =	dma.local [hbm:s3], $0xF7A  }
0x26: {  	[smem:$0x3F94] =	sst s1;
	(tag) =	ssettag s2;
	_ =	strace s9  }
0x27: {  	s1 =	sld [smem:$0x3FA4]  }
0x28: {  	s2 =	sld [smem:$0x3FA5]  }
0x29: {  	s4 =	sld [smem:$0x3FA7]  }
0x2a: {  	p0 =	seq.s32 s5, $0x0;
	s5 =	sld [smem:$0x3FA8]  }
0x2b: {  	s6 =	sld [smem:$0x3FA9]  }
0x2c: {  	s7 =	sld [smem:$0x3FAA]  }
0x2d: {  	s3 =	simm.s32 $0x108;
	s8 =	sld [smem:$0x3FAB]  }
0x2e: {  	s3 =	simm.s32 @!p0 $0x1082;
	s9 =	sld [smem:$0x3FAC]  }
0x2f: {  	lr =	sadd.s32 s0, s3;
	s0 =	sld [smem:$0x3FA3]  }
0x30: {  	s3 =	sld [smem:$0x3FA6]  }
0x31: {  	[smem:$0x3FAF] =	sst s10  }
0x32: {  	s10 =	sld [smem:$0x3FAD];
	_ =	sdelay $0x3  }
0x33: {  	p0 =	seq.s32 s10, $0x1;
	s10 =	sld [smem:$0x3FAF];
	_ =	sdelay $0x3  }
0x34: {  	[smem:$0x3FAF] =	sst s10  }
0x35: {  	s10 =	sld [smem:$0x3FAE];
	_ =	sdelay $0x3  }
0x36: {  	p1 =	seq.s32 s10, $0x1;
	s10 =	sld [smem:$0x3FAF];
	_ =	sdelay $0x3  }
0x37: {  	[smem:$0x3FAF] =	sst s10  }
0x38: {  	s10 =	sld [smem:$0x3FB0]  }
0x39: {  	_ = 	snop;
	(pc) =	sbr.ind lr, $3  }
0x3a: {  	_ = 	snop  }
0x3b: {  	_ = 	snop  }
0x3c: {  	p2 =	seq.s32 s10, $0x1;
	s10 =	sld [smem:$0x3FAF]  }
0x3d: {  	_ =	shalt  }
0x3e: {  	_ =	shalt  }
0x3f: {  	_ =	shalt  }
0x40: {  	_ =	shalt  }
0x41: {  	_ =	shalt  }
0x42: {  	_ =	shalt  }
0x43: {  	_ =	shalt  }
0x44: {  	_ =	shalt  }
0x45: {  	_ =	shalt  }
0x46: {  	_ =	shalt  }
0x47: {  	_ =	shalt  }
0x48: {  	_ =	shalt  }
0x49: {  	_ =	shalt  }
0x4a: {  	_ =	shalt  }
0x4b: {  	_ =	shalt  }
0x4c: {  	_ =	shalt  }
0x4d: {  	_ =	shalt  }
0x4e: {  	_ =	shalt  }
0x4f: {  	_ =	shalt  }
0x50: {  	_ =	shalt  }
0x51: {  	_ =	shalt  }
0x52: {  	_ =	shalt  }
0x53: {  	_ =	shalt  }
0x54: {  	_ =	shalt  }
0x55: {  	_ =	shalt  }
0x56: {  	_ =	shalt  }
0x57: {  	_ =	shalt  }
0x58: {  	_ =	shalt  }
0x59: {  	_ =	shalt  }
0x5a: {  	_ =	shalt  }
0x5b: {  	_ =	shalt  }
0x5c: {  	_ =	shalt  }
0x5d: {  	_ =	shalt  }
0x5e: {  	_ =	shalt  }
0x5f: {  	_ =	shalt  }
0x60: {  	_ =	shalt  }
0x61: {  	_ =	shalt  }
0x62: {  	_ =	shalt  }
0x63: {  	_ =	shalt  }
0x64: {  	_ =	shalt  }
0x65: {  	_ =	shalt  }
0x66: {  	_ =	shalt  }
0x67: {  	_ =	shalt  }
0x68: {  	_ =	shalt  }
0x69: {  	_ =	shalt  }
0x6a: {  	_ =	shalt  }
0x6b: {  	_ =	shalt  }
0x6c: {  	_ =	shalt  }
0x6d: {  	_ =	shalt  }
0x6e: {  	_ =	shalt  }
0x6f: {  	_ =	shalt  }
0x70: {  	_ =	shalt  }
0x71: {  	_ =	shalt  }
0x72: {  	_ =	shalt  }
0x73: {  	_ =	shalt  }
0x74: {  	_ =	shalt  }
0x75: {  	_ =	shalt  }
0x76: {  	_ =	shalt  }
0x77: {  	_ =	shalt  }
0x78: {  	_ =	shalt  }
0x79: {  	_ =	shalt  }
0x7a: {  	_ =	shalt  }
0x7b: {  	_ =	shalt  }
0x7c: {  	_ =	shalt  }
0x7d: {  	_ =	shalt  }
0x7e: {  	_ =	shalt  }
0x7f: {  	_ =	shalt  }
0x80: {  	_ =	shalt  }
0x81: {  	_ =	shalt  }
0x82: {  	_ =	shalt  }
0x83: {  	_ =	shalt  }
0x84: {  	_ =	shalt  }
0x85: {  	_ =	shalt  }
0x86: {  	_ =	shalt  }
0x87: {  	_ =	shalt  }
.Lfunc_end0:
.L_simem_size_0:
called_computation_lowered:
.L_overlay_start_0:
0x88: {  	s2 =	sld [smem:$0x3FD9]  }
0x89: {  	s3 =	sld [smem:$0x3FFE];
	_ =	sdelay $0x1  }
0x8a: {  	s1 =	srdreg.scid  }
0x8b: {  	s0 =	sand.u32 $0x1, s1  }
0x8c: {  	s16 =	sshll.u32 s0, $0xA;
	s2 =	sadd.s32 s3, s2  }
0x8d: {  	s2 =	sadd.s32 s2, s16  }
0x8e: {  	[smem:$0x3FBB] =	sst s2  }
0x8f: {  	_ = 	snop  }
0x90: {  	(tm) =	ssettm $0x1  }
0x91: {  	s17 =	sld [smem:$0x3FFB];
	_ =	sdelay $0x3  }
0x92: {  	_ =	strace s17  }
0x93: {  	s2 =	sld [smem:$0x3FFC];
	_ =	sdelay $0x3  }
0x94: {  	_ =	strace s2  }
0x95: {  	s2 =	sld [smem:$0x3FFD];
	_ =	sdelay $0x3  }
0x96: {  	_ =	strace s2  }
0x97: {  	_ =	strace $0x8FFFFFFF  }
0x98: {  	s18 =	sld [smem:$0x3FDB];
	_ =	sdelay $0x1  }
0x99: {  	s19 =	simm.s32 $_scs_section_size  }
0x9a: {  	s4 =	simm.s32 $_size__tile_overlayer_lowered;
	s5 =	simm.s32 $_tile_overlayer_lowered  }
0x9b: {  	s22 =	simm.s32 $0x1BFF;
	s21 =	sshll.u32 s5, $0x1;
	s2 =	sadd.s32 s19, s18  }
0x9c: {  	s6 =	simm.s32 $0x0;
	s20 =	sshll.u32 s4, $0x1;
	s4 =	sadd.s32 s21, s2  }
0x9d: {  	[timem:s6], [sflag:s22] =	dma.local [hbm:s4], s20  }
0x9e: {  	_ =	swait.ge [sflag:s22], s20  }
0x9f: {  	s3 =	ssub.s32 $0x0, s20;
	[sflag:s22] =	ssyncset.done $0x0  }
0xa0: {  	[sflag:s22] =	ssyncadd.s32 s3;
	_ =	sdelay $0x1  }
0xa1: {  	s23 =	simm.s32 $0x1B8B  }
0xa2: {  	_ =	swait.ge [sflag:s23], $0x1  }
0xa3: {  	[sflag:s23] =	ssyncset.done $0x0  }
0xa4: {  	s25 =	simm.s32 $0x1B8E;
	s24 =	sld [smem:$0x3FFE];
	[sflag:s23] =	ssyncadd.s32 $0xFFFFFFFF  }
0xa5: {  	s26 =	simm.s32 $execute0_lowered;
	[smem:$0x3FD2] =	sst s25  }
0xa6: {  	s4 =	sshll.u32 s26, $0x1;
	_ =	strace $0x80000046;
	[dreg:$0x1] =	wrdreg $0xFFFFFFFF  }
0xa7: {  	s28 =	simm.s32 $_size_execute0_lowered;
	s2 =	sadd.s32 s2, s4;
	[dreg:$0x0] =	wrdreg $0x0  }
0xa8: {  	s4 =	sshll.u32 s28, $0x1;
	[dreg:$0x2] =	wrdreg s2  }
0xa9: {  	[dreg:$0x3] =	wrdreg s4  }
0xaa: {  	[dreg:$0x4] =	wrdreg $0xC0  }
0xab: {  	_ =	task [dreg:s6], $0x5FFFF  }
0xac: {  	[dreg:$0x1] =	wrdreg $0xFFFFFFFF  }
0xad: {  	[dreg:$0x0] =	wrdreg $0x60  }
0xae: {  	[dreg:$0x2] =	wrdreg s24  }
0xaf: {  	[dreg:$0x3] =	wrdreg $0xDE000  }
0xb0: {  	[dreg:$0x4] =	wrdreg $0x9  }
0xb1: {  	_ =	task.clear_ibuf [dreg:s6], $0x5FFFF;
	_ =	strace $0x90000046  }
0xb2: {  	s29 =	simm.s32 $0x9;
	_ =	strace $0x80000048  }
0xb3: {  	_ =	swait.ge [sflag:s29], $0x1  }
0xb4: {  	[sflag:s29] =	ssyncadd.s32 $0xFFFFFFFF  }
0xb5: {  	_ =	strace $0x90000048  }
0xb6: {  	_ =	sfence  }
0xb7: {  	s30 =	sld [smem:$0x0];
	_ =	sdelay $0x2  }
0xb8: {  	s31 =	sshll.u32 s1, $0xD;
	s1 =	sshrl.u32 s1, $0x2  }
0xb9: {  	s3 =	sand.u32 $0x4000, s31;
	s1 =	sadd.s32 s1, s30  }
0xba: {  	s0 =	sor.u32 s3, s0;
	s1 =	sshll.u32 s1, $0x11  }
0xbb: {  	s0 =	sor.u32 s1, s0  }
0xbc: {  	s0 =	sadd.s32 $0x8F2B, s0  }
0xbd: {  	[sflag:s0] =	ssyncadd.remote.s32 $0x1  }
0xbe: {  	_ =	sfence.sel $0xFFFF  }
0xbf: {  	[dreg:$0x0] =	wrdreg $0xFFFFFFFF;
	(pc) =	sbr.abs _section_cstart, $3  }
0xc0: {  	[dreg:$0x1] =	wrdreg $0xFFFFFFFF  }
0xc1: {  	_ =	task.clear_ibuf [dreg:s6], $0x2FFFF;
	_ =	strace $0x9FFFFFFF  }
0xc2: {  	(tm) =	ssettm $0x7FFFFFFF  }
0xc3: {  	_ =	shalt  }
tec
execute0_lowered:
.L_overlay_start_1:
0x0: {  	(tag) =	ssettag $0x1  }
0x1: {  	s4 =	rddreg [dreg:$0x0];
	s0 =	stileid.u32  }
0x2: {  	s1 =	srdreg.scid;
	s2 =	rddreg [dreg:$0x1]  }
0x3: {  	s3 =	simm.s32 $0x0;
	s14 =	simm.s32 $0x80;
	s15 =	simm.s32 $0x9E00  }
0x4: {  	s16 =	simm.s32 $0xBE00;
	s17 =	simm.s32 $0x1;
	s18 =	simm.s32 $0x2  }
0x5: {  	s19 =	simm.s32 $0x4E80;
	s20 =	simm.s32 $0x9D00;
	s21 =	simm.s32 $0x9D80  }
0x6: {  	s5 =	sand.u32 $0x1, s1;
	s6 =	smul.u32 $0x14000, s0;
	s1 =	rddreg [dreg:$0x2]  }
0x7: {  	s22 =	simm.s32 $0x0;
	[smem:$0x7FF] =	sst s3;
	s8 =	smul.u32 $0x9E0, s0  }
0x8: {  	s10 =	sadd.s32 $0x2200, s4;
	s7 =	smul.u32 $0x140000, s5;
	s5 =	ssub.s32 $0x2, s5  }
0x9: {  	s31 =	sshll.u32 s0, $0x6;
	_ =	strace $0x80000047;
	s30 =	sshrl.u32 s5, $0x1  }
0xa: {  	s8 =	sadd.s32 s8, s4;
	s9 =	sadd.s32 s6, s7;
	s12 =	ssub.s32 s5, s30  }
0xb: {  	s6 =	sshrl.u32 s6, $0x1;
	s5 =	sadd.s32 $0x2A200, s8;
	s7 =	sshrl.u32 s7, $0x4  }
0xc: {  	s9 =	sshrl.u32 s9, $0x4;
	s13 =	sadd.s32 s6, s2;
	s7 =	sadd.s32 s10, s7  }
0xd: {  	s11 =	sadd.s32 s9, s4;
	s4 =	sadd.s32 $0x34000, s8;
	s6 =	sadd.s32 s10, s9  }
0xe: {  	s9 =	smax.u32 s12, $0x1;
	s10 =	simm.s32 $0x3;
	s12 =	sor.u32 $0x1C03, s31  }
0xf: {  	s13 =	sshrl.u32 s13, $0x3;
	s8 =	sadd.s32 $0x3DE00, s11;
	s11 =	simm.s32 $0x4F00  }
.LBB2_1:
0x10: {  	[tilespmem:s3], [sflag:$0x3] =	stream.linear.gather [hbm4b:s4+s3], $0x4F00, $0x38;
	[tilespmem:$0x17E00] =	vst v63  }
0x11: {  	_ =	swait.ge [sflag:s10], $0x4F00  }
0x12: {  	[sflag:s10] =	ssyncset.done $0x0  }
0x13: {  	[sflag:s10] =	ssyncadd.s32 $0xFFFFB100  }
0x14: {  	[tilespmem:s11], [sflag:$0x3] =	stream.linear.gather [hbm4b:s5+s3], $0x4F00, $0x38;
	[tilespmem:$0x17E00] =	vst v63  }
0x15: {  	_ =	swait.ge [sflag:s10], $0x4F00  }
0x16: {  	[sflag:s10] =	ssyncset.done $0x0  }
0x17: {  	[sflag:s10] =	ssyncadd.s32 $0xFFFFB100  }
0x18: {  	[spmem:s13], [sflag:s12] =	dma.local [hbm:s6], $0x1400  }
0x19: {  	_ =	swait.ge [sflag:s10], $0x1400  }
0x1a: {  	[sflag:s10] =	ssyncset.done $0x0  }
0x1b: {  	[sflag:s10] =	ssyncadd.s32 $0xFFFFEC00  }
0x1c: {  	[bflag:$0x0] =	sbarrier.arrive $0xFFFF  }
0x1d: {  	[tilespmem:s15], [sflag:$0x1] =	stream.indirect.gather [hbm4b:s7+s14], $0x40, s3, s14, $0xb8;
	[tilespmem:$0x17E00] =	vst v63  }
0x1e: {  	s23 =	simm.s32 $0x80  }
0x1f: {  	[tilespmem:s16], [sflag:$0x2] =	stream.indirect.gather [hbm4b:s7+s14], $0x40, s23, s14, $0xb8;
	[tilespmem:$0x17E00] =	vst v63  }
0x20: {  	_ =	swait.ge [sflag:s17], $0x2000  }
0x21: {  	[sflag:s17] =	ssyncset.done $0x0  }
0x22: {  	s29 =	simm.s32 $0x4F00;
	[sflag:s17] =	ssyncadd.s32 $0xFFFFE000  }
0x23: {  	[spmem:s2] =	stream.indirect.scatter.add.bf16 [tilespmem:s15], [sflag:$0x3], $0x40, s29, s14, $0xb8;
	[tilespmem:$0x17E00] =	vst v63  }
0x24: {  	_ =	swait.ge [sflag:s10], $0x2000  }
0x25: {  	[sflag:s10] =	ssyncset.done $0x0  }
0x26: {  	s30 =	simm.s32 $0x100;
	[sflag:s10] =	ssyncadd.s32 $0xFFFFE000  }
0x27: {  	[tilespmem:s15], [sflag:$0x1] =	stream.indirect.gather [hbm4b:s7+s14], $0x40, s30, s14, $0xb8;
	[tilespmem:$0x17E00] =	vst v63  }
0x28: {  	_ =	swait.ge [sflag:s18], $0x2000  }
0x29: {  	[sflag:s18] =	ssyncset.done $0x0  }
0x2a: {  	s31 =	simm.s32 $0x4F80;
	[sflag:s18] =	ssyncadd.s32 $0xFFFFE000  }
0x2b: {  	[spmem:s2] =	stream.indirect.scatter.add.bf16 [tilespmem:s16], [sflag:$0x3], $0x40, s31, s14, $0xb8;
	[tilespmem:$0x17E00] =	vst v63  }
0x2c: {  	_ =	swait.ge [sflag:s10], $0x2000  }
0x2d: {  	s24 =	simm.s32 $0x800;
	s23 =	simm.s32 $0x100;
	[sflag:s10] =	ssyncset.done $0x0  }
.LBB2_2:
0x2e: {  	s25 =	sadd.s32 $0x80, s23  }
0x2f: {  	[sflag:s10] =	ssyncadd.s32 $0xFFFFE000;
	s26 =	smov.u32 s24;
	s28 =	sadd.s32 $0x400, s24  }
0x30: {  	[tilespmem:s16], [sflag:$0x2] =	stream.indirect.gather [hbm4b:s7+s14], $0x40, s25, s14, $0xb8;
	[tilespmem:$0x17E00] =	vst v63  }
0x31: {  	p0 =	sne.s32 s24, $0x13400;
	_ =	swait.ge [sflag:s17], $0x2000  }
0x32: {  	[sflag:s17] =	ssyncset.done $0x0  }
0x33: {  	s24 =	sadd.s32 $0x4F00, s23;
	[sflag:s17] =	ssyncadd.s32 $0xFFFFE000  }
0x34: {  	[spmem:s2] =	stream.indirect.scatter.add.bf16 [tilespmem:s15], [sflag:$0x3], $0x40, s24, s14, $0xb8;
	[tilespmem:$0x17E00] =	vst v63  }
0x35: {  	_ =	swait.ge [sflag:s10], $0x2000  }
0x36: {  	[sflag:s10] =	ssyncset.done $0x0  }
0x37: {  	s24 =	sadd.s32 $0x100, s23;
	[sflag:s10] =	ssyncadd.s32 $0xFFFFE000  }
0x38: {  	[tilespmem:s15], [sflag:$0x1] =	stream.indirect.gather [hbm4b:s7+s14], $0x40, s24, s14, $0xb8;
	[tilespmem:$0x17E00] =	vst v63  }
0x39: {  	_ =	swait.ge [sflag:s18], $0x2000  }
.Ltmp0:
0x3a: {  	[sflag:s18] =	ssyncset.done $0x0;
	(pc) =	sbr.rel @p0 .LBB2_2-.Ltmp0, $4  }
0x3b: {  	s23 =	sadd.s32 $0x4F80, s23;
	[sflag:s18] =	ssyncadd.s32 $0xFFFFE000  }
0x3c: {  	[spmem:s2] =	stream.indirect.scatter.add.bf16 [tilespmem:s16], [sflag:$0x3], $0x40, s23, s14, $0xb8;
	[tilespmem:$0x17E00] =	vst v63  }
0x3d: {  	_ =	swait.ge [sflag:s10], $0x2000  }
0x3e: {  	s24 =	smov.u32 s28;
	s23 =	sshra.s32 s26, $0x2;
	[sflag:s10] =	ssyncset.done $0x0  }
0x3f: {  	s24 =	sadd.s32 $0x80, s23;
	[sflag:s10] =	ssyncadd.s32 $0xFFFFE000  }
0x40: {  	[tilespmem:s16], [sflag:$0x2] =	stream.indirect.gather [hbm4b:s7+s14], $0x40, s24, s14, $0xb8;
	[tilespmem:$0x17E00] =	vst v63  }
0x41: {  	_ =	swait.ge [sflag:s17], $0x2000  }
0x42: {  	[sflag:s17] =	ssyncset.done $0x0  }
0x43: {  	s29 =	sadd.s32 $0x4F00, s23;
	[sflag:s17] =	ssyncadd.s32 $0xFFFFE000  }
0x44: {  	[spmem:s2] =	stream.indirect.scatter.add.bf16 [tilespmem:s15], [sflag:$0x3], $0x40, s29, s14, $0xb8;
	[tilespmem:$0x17E00] =	vst v63  }
0x45: {  	_ =	swait.ge [sflag:s10], $0x2000  }
0x46: {  	[sflag:s10] =	ssyncset.done $0x0  }
0x47: {  	s30 =	sadd.s32 $0x100, s23;
	[sflag:s10] =	ssyncadd.s32 $0xFFFFE000  }
0x48: {  	[tilespmem:s15], [sflag:$0x1] =	stream.indirect.gather [hbm4b:s7+s14], $0x40, s30, s14, $0xb8;
	[tilespmem:$0x17E00] =	vst v63  }
0x49: {  	_ =	swait.ge [sflag:s18], $0x2000  }
0x4a: {  	[sflag:s18] =	ssyncset.done $0x0  }
0x4b: {  	s31 =	sadd.s32 $0x4F80, s23;
	[sflag:s18] =	ssyncadd.s32 $0xFFFFE000  }
0x4c: {  	[spmem:s2] =	stream.indirect.scatter.add.bf16 [tilespmem:s16], [sflag:$0x3], $0x40, s31, s14, $0xb8;
	[tilespmem:$0x17E00] =	vst v63  }
0x4d: {  	_ =	swait.ge [sflag:s10], $0x2000  }
0x4e: {  	[sflag:s10] =	ssyncset.done $0x0  }
0x4f: {  	[sflag:s10] =	ssyncadd.s32 $0xFFFFE000  }
0x50: {  	[tilespmem:s16], [sflag:$0x2] =	stream.indirect.gather [hbm4b:s7+s14], $0x40, s19, s14, $0xb8;
	[tilespmem:$0x17E00] =	vst v63  }
0x51: {  	_ =	swait.ge [sflag:s17], $0x2000  }
0x52: {  	[sflag:s17] =	ssyncset.done $0x0  }
0x53: {  	[sflag:s17] =	ssyncadd.s32 $0xFFFFE000  }
0x54: {  	[spmem:s2] =	stream.indirect.scatter.add.bf16 [tilespmem:s15], [sflag:$0x3], $0x40, s20, s14, $0xb8;
	[tilespmem:$0x17E00] =	vst v63  }
0x55: {  	_ =	swait.ge [sflag:s10], $0x2000  }
0x56: {  	[sflag:s10] =	ssyncset.done $0x0  }
0x57: {  	[sflag:s10] =	ssyncadd.s32 $0xFFFFE000  }
0x58: {  	[tilespmem:s15], [sflag:$0x1] =	stream.indirect.gather [hbm4b:s7+s14], $0x40, s3, s14, $0xb8;
	[tilespmem:$0x17E00] =	vst v63  }
0x59: {  	_ =	swait.ge [sflag:s18], $0x2000  }
0x5a: {  	[sflag:s18] =	ssyncset.done $0x0  }
0x5b: {  	[sflag:s18] =	ssyncadd.s32 $0xFFFFE000  }
0x5c: {  	[spmem:s2] =	stream.indirect.scatter.add.bf16 [tilespmem:s16], [sflag:$0x3], $0x40, s21, s14, $0xb8;
	[tilespmem:$0x17E00] =	vst v63  }
0x5d: {  	_ =	swait.ge [sflag:s10], $0x2000  }
0x5e: {  	[sflag:s10] =	ssyncset.done $0x0  }
0x5f: {  	[sflag:s10] =	ssyncadd.s32 $0xFFFFE000  }
0x60: {  	_ =	swait.ge [sflag:s17], $0x2000  }
0x61: {  	s22 =	sadd.s32 $0x1, s22;
	[sflag:s17] =	ssyncset.done $0x0  }
0x62: {  	p0 =	sne.s32 s22, s9;
	[sflag:s17] =	ssyncadd.s32 $0xFFFFE000  }
.Ltmp1:
0x63: {  	[bflag:$0x0] =	sbarrier.arrive $0xFFFF;
	(pc) =	sbr.rel @p0 .LBB2_1-.Ltmp1, $4  }
0x64: {  	[hbm:s8], [sflag:s12] =	dma.local [spmem:s13], $0x1400  }
0x65: {  	_ =	swait.ge [sflag:s10], $0x1400  }
0x66: {  	[sflag:s10] =	ssyncset.done $0x0  }
0x67: {  	[sflag:s10] =	ssyncadd.s32 $0xFFFFEC00  }
0x68: {  	_ =	sfence.sel $0x180000  }
0x69: {  	[bflag:$0x0] =	sbarrier.arrive $0xFFFF  }
0x6a: {  	p0 =	sne.s32 s0, $0x0;
	_ =	strace $0x90000047  }
0x6b: {  	s0 =	sadd.s32 @!p0 $0x100000, s1;
	[bflag:$0x2] =	sbarrier.arrive $0xFFFF  }
0x6c: {  	[sflag:s0] =	ssyncadd.tile.s32 @!p0 $0x1;
	_ =	shalt  }
.Lfunc_end2:
_tile_overlayer_lowered:
.L_overlay_start_2:
0x6d: {  	(tag) =	ssettag $0x2  }
0x6e: {  	s0 =	rddreg [dreg:$0x0];
	s2 =	stileid.u32  }
0x6f: {  	s1 =	rddreg [dreg:$0x1];
	p0 =	sne.s32 s2, $0x0  }
0x70: {  	s3 =	rddreg [dreg:$0x2];
	[bflag:$0x3] =	sbarrier.arrive $0xFFFF;
	s2 =	simm.s32 @!p0 $0x1C03  }
0x71: {  	[timem:s3], [sflag:s2] =	dma.local @!p0 [hbm:s0], s1  }
0x72: {  	s0 =	simm.s32 @!p0 $0x3  }
0x73: {  	_ =	swait.ge @!p0 [sflag:s0], s1  }
0x74: {  	s1 =	ssub.s32 @!p0 $0x0, s1;
	[sflag:s0] =	ssyncset.done @!p0 $0x0  }
0x75: {  	[sflag:s0] =	ssyncadd.s32 @!p0 s1  }
0x76: {  	[bflag:$0x3] =	sbarrier.arrive $0xFFFF  }
0x77: {  	_ =	shalt  }

</sc_bundles>
